<compile_context>
chip_gen: v7x
topology: tpu7x:2x2x1
jax: 0.10.2.dev20260603
libtpu: 0.0.44.dev20260713+nightly
codegen_flags: <defaults>
</compile_context>

<pallas_src>
import functools

import jax
import jax.numpy as jnp
from jax import lax
from jax.experimental import pallas as pl
from jax.experimental.pallas import tpu as pltpu
from jax.experimental.pallas import tpu_sc as plsc

EMB = 32
NBUF = 3

_info = plsc.get_sparse_core_info()
_NC, _NS = _info.num_cores, _info.num_subcores
_NW = _NC * _NS


@functools.cache
def _make_gather(n_rows, b_per_w, n_chunks, chunk):
    mesh = plsc.VectorSubcoreMesh(core_axis_name="c", subcore_axis_name="s")
    scratch = (
        [pltpu.VMEM((n_chunks, chunk), jnp.int32)]
        + [pltpu.VMEM((chunk, EMB), jnp.float32) for _ in range(NBUF)]
        + [pltpu.SemaphoreType.DMA for _ in range(2 * NBUF)]
    )

    @functools.partial(
        pl.kernel,
        mesh=mesh,
        out_type=jax.ShapeDtypeStruct((_NW * b_per_w, EMB), jnp.float32),
        scratch_types=scratch,
        compiler_params=pltpu.CompilerParams(use_tc_tiling_on_sc=False),
    )
    def gather(t_hbm, table_hbm, out_hbm, idx_v, *bufs_and_sems):
        rows = bufs_and_sems[:NBUF]
        gs = bufs_and_sems[NBUF : 2 * NBUF]
        ws = bufs_and_sems[2 * NBUF :]
        wid = lax.axis_index("s") * _NC + lax.axis_index("c")
        base = wid * b_per_w
        pltpu.sync_copy(t_hbm.at[wid], idx_v)

        gcp = [None] * NBUF
        wcp = [None] * NBUF

        def start_write(i):
            b = i % NBUF
            gcp[b].wait()
            wcp[b] = pltpu.async_copy(
                rows[b], out_hbm.at[pl.ds(base + i * chunk, chunk)], ws[b]
            )

        for i in range(n_chunks):
            b = i % NBUF
            if wcp[b] is not None:
                wcp[b].wait()
            gcp[b] = pltpu.async_copy(table_hbm.at[idx_v.at[i]], rows[b], gs[b])
            if i >= NBUF - 1:
                start_write(i - (NBUF - 1))
        for i in range(max(0, n_chunks - (NBUF - 1)), n_chunks):
            start_write(i)
        for w in wcp:
            if w is not None:
                w.wait()

    return gather


def kernel(t, embeddings):
    b_per_w = t.size // _NW
    n_chunks = 25
    chunk = b_per_w // n_chunks
    tf = t.reshape(_NW, n_chunks, chunk)
    fn = _make_gather(embeddings.shape[0], b_per_w, n_chunks, chunk)
    out = fn(tf, embeddings)
    return out.reshape(t.shape + (EMB,))

# --- scband reference (transcript-rebuilt; emitter-appended) ---
"""Pipeline reference for scband-time-encoder-34265249088128 (READ-ONLY COPY).

The authoritative reference and input builder live on the scoring server;
editing this copy changes nothing except your own understanding.
"""

import jax, jax.numpy as jnp
import numpy as np

TIMESTAMPS_NUM = 1000000
TIME_EMB_SIZE = 32
N_BASE = 10000


def _build_table(timestamps_num, time_embeddings_size, n):
    d = time_embeddings_size // 2 * 2
    k = np.arange(timestamps_num, dtype=np.float64)[:, None]
    i = np.arange(d // 2, dtype=np.float64)[None, :]
    x = k / n ** (2.0 * i / d)
    emb = np.zeros((timestamps_num, d), dtype=np.float32)
    emb[:, 0::2] = np.sin(x).astype(np.float32)
    emb[:, 1::2] = np.cos(x).astype(np.float32)
    return jnp.asarray(emb)


def setup_inputs(seed: int = 0) -> dict:
    key = jax.random.key(seed)
    t = jax.random.randint(key, (16384, 50), 0, TIMESTAMPS_NUM, dtype=jnp.int32)
    embeddings = _build_table(TIMESTAMPS_NUM, TIME_EMB_SIZE, N_BASE)
    return {"t": t, "embeddings": embeddings}


def reference(t, embeddings):
    # Faithful translation: embeddings[t] is a row-gather from the
    # precomputed sinusoidal time-embedding table.
    return jnp.take(embeddings, t, axis=0)

if __name__ == "__main__":
    import jax
    _d = setup_inputs()
    print(jax.jit(kernel)(*tuple(_d.values())))

</pallas_src>

<mosaic_0001>
#map = affine_map<(d0, d1) -> (0, 0, 0)>
#map1 = affine_map<(d0, d1) -> (0, 0)>
module attributes {stable_mosaic.version = 14 : i64} {
  func.func @gather(%arg0: i32, %arg1: i32, %arg2: memref<32x25x1024xi32, #tpu.memory_space<hbm>>, %arg3: memref<1000000x32xf32, #tpu.memory_space<hbm>>, %arg4: memref<819200x32xf32, #tpu.memory_space<hbm>>, %arg5: memref<25x1024xi32, #tpu.memory_space<vmem>>, %arg6: memref<1024x32xf32, #tpu.memory_space<vmem>>, %arg7: memref<1024x32xf32, #tpu.memory_space<vmem>>, %arg8: memref<1024x32xf32, #tpu.memory_space<vmem>>, %arg9: memref<!tpu.dma_semaphore, #tpu.memory_space<semaphore_mem>>, %arg10: memref<!tpu.dma_semaphore, #tpu.memory_space<semaphore_mem>>, %arg11: memref<!tpu.dma_semaphore, #tpu.memory_space<semaphore_mem>>, %arg12: memref<!tpu.dma_semaphore, #tpu.memory_space<semaphore_mem>>, %arg13: memref<!tpu.dma_semaphore, #tpu.memory_space<semaphore_mem>>, %arg14: memref<!tpu.dma_semaphore, #tpu.memory_space<semaphore_mem>>) attributes {dimension_semantics = [#tpu.dimension_semantics<core_parallel>, #tpu.dimension_semantics<subcore_parallel>], iteration_bounds = array<i64: 2, 16>, scalar_prefetch = 0 : i64, scratch_operands = 10 : i64, tpu.core_type = #tpu.core_type<sc_vector_subcore>, window_params = [{transform_indices = #map}, {transform_indices = #map1}, {transform_indices = #map1}]} {
    %mul3A = arith.constant 2 : i32
    %mul3A_0 = arith.muli %arg1, %mul3A : i32
    %add3A = arith.addi %mul3A_0, %arg0 : i32
    %mul3A_1 = arith.constant 25600 : i32
    %mul3A_2 = arith.muli %add3A, %mul3A_1 : i32
    "tpu.region"() ({
      %run_scoped3A = tpu.sem_alloc : memref<!tpu.dma_semaphore, #tpu.memory_space<semaphore_mem>>
      %dma_start3A_601 = arith.constant 0 : i32
      %dma_start3A_602 = arith.constant 0 : i32
      %dma_start3A_603 = tpu.memref_slice %arg2[%add3A, %dma_start3A_601, %dma_start3A_602] : memref<32x25x1024xi32, #tpu.memory_space<hbm>> -> memref<1x25x1024xi32, #tpu.memory_space<hbm>>
      %dma_start3A_604 = tpu.memref_squeeze %dma_start3A_603 : memref<1x25x1024xi32, #tpu.memory_space<hbm>> -> memref<25x1024xi32, #tpu.memory_space<hbm>>
      %dma_start3A_605 = arith.constant 0 : i32
      %dma_start3A_606 = arith.constant 0 : i32
      %dma_start3A_607 = tpu.memref_slice %arg2[%add3A, %dma_start3A_605, %dma_start3A_606] : memref<32x25x1024xi32, #tpu.memory_space<hbm>> -> memref<1x25x1024xi32, #tpu.memory_space<hbm>>
      %dma_start3A_608 = tpu.memref_squeeze %dma_start3A_607 : memref<1x25x1024xi32, #tpu.memory_space<hbm>> -> memref<25x1024xi32, #tpu.memory_space<hbm>>
      tpu.enqueue_dma source(%dma_start3A_608 : memref<25x1024xi32, #tpu.memory_space<hbm>>) target(%arg5 : memref<25x1024xi32, #tpu.memory_space<vmem>>) target_semaphore(%run_scoped3A : memref<!tpu.dma_semaphore, #tpu.memory_space<semaphore_mem>>)
      %dma_wait3A_609 = arith.constant 0 : i32
      %dma_wait3A_610 = arith.constant 0 : i32
      %dma_wait3A_611 = tpu.memref_slice %arg2[%add3A, %dma_wait3A_609, %dma_wait3A_610] : memref<32x25x1024xi32, #tpu.memory_space<hbm>> -> memref<1x25x1024xi32, #tpu.memory_space<hbm>>
      %dma_wait3A_612 = tpu.memref_squeeze %dma_wait3A_611 : memref<1x25x1024xi32, #tpu.memory_space<hbm>> -> memref<25x1024xi32, #tpu.memory_space<hbm>>
      %dma_wait3A_613 = arith.constant 0 : i32
      %dma_wait3A_614 = arith.constant 0 : i32
      %dma_wait3A_615 = tpu.memref_slice %arg2[%add3A, %dma_wait3A_613, %dma_wait3A_614] : memref<32x25x1024xi32, #tpu.memory_space<hbm>> -> memref<1x25x1024xi32, #tpu.memory_space<hbm>>
      %dma_wait3A_616 = tpu.memref_squeeze %dma_wait3A_615 : memref<1x25x1024xi32, #tpu.memory_space<hbm>> -> memref<25x1024xi32, #tpu.memory_space<hbm>>
      tpu.wait_dma2 semaphore(%run_scoped3A : memref<!tpu.dma_semaphore, #tpu.memory_space<semaphore_mem>>) src(%dma_wait3A_616 : memref<25x1024xi32, #tpu.memory_space<hbm>>) dst(%arg5 : memref<25x1024xi32, #tpu.memory_space<vmem>>)
      tpu.yield
    }) : () -> ()
    %dma_start3A = arith.constant 0 : i32
    %dma_start3A_3 = arith.constant 0 : i32
    %dma_start3A_4 = tpu.memref_slice %arg5[%dma_start3A, %dma_start3A_3] : memref<25x1024xi32, #tpu.memory_space<vmem>> -> memref<1x1024xi32, #tpu.memory_space<vmem>>
    %dma_start3A_5 = tpu.memref_squeeze %dma_start3A_4 : memref<1x1024xi32, #tpu.memory_space<vmem>> -> memref<1024xi32, #tpu.memory_space<vmem>>
    %dma_start3A_6 = arith.constant 0 : i32
    %dma_start3A_7 = arith.constant 0 : i32
    %dma_start3A_8 = tpu.memref_slice %arg3[%dma_start3A_6, %dma_start3A_7] : memref<1000000x32xf32, #tpu.memory_space<hbm>> -> memref<1000000x32xf32, #tpu.memory_space<hbm>>
    tpu.enqueue_indirect_dma source(%dma_start3A_8 : memref<1000000x32xf32, #tpu.memory_space<hbm>>) target(%arg6 : memref<1024x32xf32, #tpu.memory_space<vmem>>) offsets(%dma_start3A_5 : memref<1024xi32, #tpu.memory_space<vmem>>) semaphore(%arg9 : memref<!tpu.dma_semaphore, #tpu.memory_space<semaphore_mem>>)
    %dma_start3A_9 = arith.constant 1 : i32
    %dma_start3A_10 = arith.constant 0 : i32
    %dma_start3A_11 = tpu.memref_slice %arg5[%dma_start3A_9, %dma_start3A_10] : memref<25x1024xi32, #tpu.memory_space<vmem>> -> memref<1x1024xi32, #tpu.memory_space<vmem>>
    %dma_start3A_12 = tpu.memref_squeeze %dma_start3A_11 : memref<1x1024xi32, #tpu.memory_space<vmem>> -> memref<1024xi32, #tpu.memory_space<vmem>>
    %dma_start3A_13 = arith.constant 0 : i32
    %dma_start3A_14 = arith.constant 0 : i32
    %dma_start3A_15 = tpu.memref_slice %arg3[%dma_start3A_13, %dma_start3A_14] : memref<1000000x32xf32, #tpu.memory_space<hbm>> -> memref<1000000x32xf32, #tpu.memory_space<hbm>>
    tpu.enqueue_indirect_dma source(%dma_start3A_15 : memref<1000000x32xf32, #tpu.memory_space<hbm>>) target(%arg7 : memref<1024x32xf32, #tpu.memory_space<vmem>>) offsets(%dma_start3A_12 : memref<1024xi32, #tpu.memory_space<vmem>>) semaphore(%arg10 : memref<!tpu.dma_semaphore, #tpu.memory_space<semaphore_mem>>)
    %dma_start3A_16 = arith.constant 2 : i32
    %dma_start3A_17 = arith.constant 0 : i32
    %dma_start3A_18 = tpu.memref_slice %arg5[%dma_start3A_16, %dma_start3A_17] : memref<25x1024xi32, #tpu.memory_space<vmem>> -> memref<1x1024xi32, #tpu.memory_space<vmem>>
    %dma_start3A_19 = tpu.memref_squeeze %dma_start3A_18 : memref<1x1024xi32, #tpu.memory_space<vmem>> -> memref<1024xi32, #tpu.memory_space<vmem>>
    %dma_start3A_20 = arith.constant 0 : i32
    %dma_start3A_21 = arith.constant 0 : i32
    %dma_start3A_22 = tpu.memref_slice %arg3[%dma_start3A_20, %dma_start3A_21] : memref<1000000x32xf32, #tpu.memory_space<hbm>> -> memref<1000000x32xf32, #tpu.memory_space<hbm>>
    tpu.enqueue_indirect_dma source(%dma_start3A_22 : memref<1000000x32xf32, #tpu.memory_space<hbm>>) target(%arg8 : memref<1024x32xf32, #tpu.memory_space<vmem>>) offsets(%dma_start3A_19 : memref<1024xi32, #tpu.memory_space<vmem>>) semaphore(%arg11 : memref<!tpu.dma_semaphore, #tpu.memory_space<semaphore_mem>>)
    %dma_wait3A = arith.constant 0 : i32
    %dma_wait3A_23 = arith.constant 0 : i32
    %dma_wait3A_24 = tpu.memref_slice %arg5[%dma_wait3A, %dma_wait3A_23] : memref<25x1024xi32, #tpu.memory_space<vmem>> -> memref<1x1024xi32, #tpu.memory_space<vmem>>
    %dma_wait3A_25 = tpu.memref_squeeze %dma_wait3A_24 : memref<1x1024xi32, #tpu.memory_space<vmem>> -> memref<1024xi32, #tpu.memory_space<vmem>>
    %dma_wait3A_26 = arith.constant 0 : i32
    %dma_wait3A_27 = arith.constant 0 : i32
    %dma_wait3A_28 = tpu.memref_slice %arg3[%dma_wait3A_26, %dma_wait3A_27] : memref<1000000x32xf32, #tpu.memory_space<hbm>> -> memref<1000000x32xf32, #tpu.memory_space<hbm>>
    tpu.wait_indirect_dma semaphore(%arg9 : memref<!tpu.dma_semaphore, #tpu.memory_space<semaphore_mem>>) src(%dma_wait3A_28 : memref<1000000x32xf32, #tpu.memory_space<hbm>>) dst(%arg6 : memref<1024x32xf32, #tpu.memory_space<vmem>>)
    %add3A_29 = arith.constant 0 : i32
    %add3A_30 = arith.addi %mul3A_2, %add3A_29 : i32
    %dma_start3A_31 = arith.constant 0 : i32
    %dma_start3A_32 = tpu.memref_slice %arg4[%add3A_30, %dma_start3A_31] : memref<819200x32xf32, #tpu.memory_space<hbm>> -> memref<1024x32xf32, #tpu.memory_space<hbm>>
    %dma_start3A_33 = arith.constant 0 : i32
    %dma_start3A_34 = tpu.memref_slice %arg4[%add3A_30, %dma_start3A_33] : memref<819200x32xf32, #tpu.memory_space<hbm>> -> memref<1024x32xf32, #tpu.memory_space<hbm>>
    tpu.enqueue_dma source(%arg6 : memref<1024x32xf32, #tpu.memory_space<vmem>>) target(%dma_start3A_34 : memref<1024x32xf32, #tpu.memory_space<hbm>>) target_semaphore(%arg12 : memref<!tpu.dma_semaphore, #tpu.memory_space<semaphore_mem>>)
    %dma_wait3A_35 = arith.constant 0 : i32
    %dma_wait3A_36 = tpu.memref_slice %arg4[%add3A_30, %dma_wait3A_35] : memref<819200x32xf32, #tpu.memory_space<hbm>> -> memref<1024x32xf32, #tpu.memory_space<hbm>>
    %dma_wait3A_37 = arith.constant 0 : i32
    %dma_wait3A_38 = tpu.memref_slice %arg4[%add3A_30, %dma_wait3A_37] : memref<819200x32xf32, #tpu.memory_space<hbm>> -> memref<1024x32xf32, #tpu.memory_space<hbm>>
    tpu.wait_dma2 semaphore(%arg12 : memref<!tpu.dma_semaphore, #tpu.memory_space<semaphore_mem>>) src(%arg6 : memref<1024x32xf32, #tpu.memory_space<vmem>>) dst(%dma_wait3A_38 : memref<1024x32xf32, #tpu.memory_space<hbm>>)
    %dma_start3A_39 = arith.constant 3 : i32
    %dma_start3A_40 = arith.constant 0 : i32
    %dma_start3A_41 = tpu.memref_slice %arg5[%dma_start3A_39, %dma_start3A_40] : memref<25x1024xi32, #tpu.memory_space<vmem>> -> memref<1x1024xi32, #tpu.memory_space<vmem>>
    %dma_start3A_42 = tpu.memref_squeeze %dma_start3A_41 : memref<1x1024xi32, #tpu.memory_space<vmem>> -> memref<1024xi32, #tpu.memory_space<vmem>>
    %dma_start3A_43 = arith.constant 0 : i32
    %dma_start3A_44 = arith.constant 0 : i32
    %dma_start3A_45 = tpu.memref_slice %arg3[%dma_start3A_43, %dma_start3A_44] : memref<1000000x32xf32, #tpu.memory_space<hbm>> -> memref<1000000x32xf32, #tpu.memory_space<hbm>>
    tpu.enqueue_indirect_dma source(%dma_start3A_45 : memref<1000000x32xf32, #tpu.memory_space<hbm>>) target(%arg6 : memref<1024x32xf32, #tpu.memory_space<vmem>>) offsets(%dma_start3A_42 : memref<1024xi32, #tpu.memory_space<vmem>>) semaphore(%arg9 : memref<!tpu.dma_semaphore, #tpu.memory_space<semaphore_mem>>)
    %dma_wait3A_46 = arith.constant 1 : i32
    %dma_wait3A_47 = arith.constant 0 : i32
    %dma_wait3A_48 = tpu.memref_slice %arg5[%dma_wait3A_46, %dma_wait3A_47] : memref<25x1024xi32, #tpu.memory_space<vmem>> -> memref<1x1024xi32, #tpu.memory_space<vmem>>
    %dma_wait3A_49 = tpu.memref_squeeze %dma_wait3A_48 : memref<1x1024xi32, #tpu.memory_space<vmem>> -> memref<1024xi32, #tpu.memory_space<vmem>>
    %dma_wait3A_50 = arith.constant 0 : i32
    %dma_wait3A_51 = arith.constant 0 : i32
    %dma_wait3A_52 = tpu.memref_slice %arg3[%dma_wait3A_50, %dma_wait3A_51] : memref<1000000x32xf32, #tpu.memory_space<hbm>> -> memref<1000000x32xf32, #tpu.memory_space<hbm>>
    tpu.wait_indirect_dma semaphore(%arg10 : memref<!tpu.dma_semaphore, #tpu.memory_space<semaphore_mem>>) src(%dma_wait3A_52 : memref<1000000x32xf32, #tpu.memory_space<hbm>>) dst(%arg7 : memref<1024x32xf32, #tpu.memory_space<vmem>>)
    %add3A_53 = arith.constant 1024 : i32
    %add3A_54 = arith.addi %mul3A_2, %add3A_53 : i32
    %dma_start3A_55 = arith.constant 0 : i32
    %dma_start3A_56 = tpu.memref_slice %arg4[%add3A_54, %dma_start3A_55] : memref<819200x32xf32, #tpu.memory_space<hbm>> -> memref<1024x32xf32, #tpu.memory_space<hbm>>
    %dma_start3A_57 = arith.constant 0 : i32
    %dma_start3A_58 = tpu.memref_slice %arg4[%add3A_54, %dma_start3A_57] : memref<819200x32xf32, #tpu.memory_space<hbm>> -> memref<1024x32xf32, #tpu.memory_space<hbm>>
    tpu.enqueue_dma source(%arg7 : memref<1024x32xf32, #tpu.memory_space<vmem>>) target(%dma_start3A_58 : memref<1024x32xf32, #tpu.memory_space<hbm>>) target_semaphore(%arg13 : memref<!tpu.dma_semaphore, #tpu.memory_space<semaphore_mem>>)
    %dma_wait3A_59 = arith.constant 0 : i32
    %dma_wait3A_60 = tpu.memref_slice %arg4[%add3A_54, %dma_wait3A_59] : memref<819200x32xf32, #tpu.memory_space<hbm>> -> memref<1024x32xf32, #tpu.memory_space<hbm>>
    %dma_wait3A_61 = arith.constant 0 : i32
    %dma_wait3A_62 = tpu.memref_slice %arg4[%add3A_54, %dma_wait3A_61] : memref<819200x32xf32, #tpu.memory_space<hbm>> -> memref<1024x32xf32, #tpu.memory_space<hbm>>
    tpu.wait_dma2 semaphore(%arg13 : memref<!tpu.dma_semaphore, #tpu.memory_space<semaphore_mem>>) src(%arg7 : memref<1024x32xf32, #tpu.memory_space<vmem>>) dst(%dma_wait3A_62 : memref<1024x32xf32, #tpu.memory_space<hbm>>)
    %dma_start3A_63 = arith.constant 4 : i32
    %dma_start3A_64 = arith.constant 0 : i32
    %dma_start3A_65 = tpu.memref_slice %arg5[%dma_start3A_63, %dma_start3A_64] : memref<25x1024xi32, #tpu.memory_space<vmem>> -> memref<1x1024xi32, #tpu.memory_space<vmem>>
    %dma_start3A_66 = tpu.memref_squeeze %dma_start3A_65 : memref<1x1024xi32, #tpu.memory_space<vmem>> -> memref<1024xi32, #tpu.memory_space<vmem>>
    %dma_start3A_67 = arith.constant 0 : i32
    %dma_start3A_68 = arith.constant 0 : i32
    %dma_start3A_69 = tpu.memref_slice %arg3[%dma_start3A_67, %dma_start3A_68] : memref<1000000x32xf32, #tpu.memory_space<hbm>> -> memref<1000000x32xf32, #tpu.memory_space<hbm>>
    tpu.enqueue_indirect_dma source(%dma_start3A_69 : memref<1000000x32xf32, #tpu.memory_space<hbm>>) target(%arg7 : memref<1024x32xf32, #tpu.memory_space<vmem>>) offsets(%dma_start3A_66 : memref<1024xi32, #tpu.memory_space<vmem>>) semaphore(%arg10 : memref<!tpu.dma_semaphore, #tpu.memory_space<semaphore_mem>>)
    %dma_wait3A_70 = arith.constant 2 : i32
    %dma_wait3A_71 = arith.constant 0 : i32
    %dma_wait3A_72 = tpu.memref_slice %arg5[%dma_wait3A_70, %dma_wait3A_71] : memref<25x1024xi32, #tpu.memory_space<vmem>> -> memref<1x1024xi32, #tpu.memory_space<vmem>>
    %dma_wait3A_73 = tpu.memref_squeeze %dma_wait3A_72 : memref<1x1024xi32, #tpu.memory_space<vmem>> -> memref<1024xi32, #tpu.memory_space<vmem>>
    %dma_wait3A_74 = arith.constant 0 : i32
    %dma_wait3A_75 = arith.constant 0 : i32
    %dma_wait3A_76 = tpu.memref_slice %arg3[%dma_wait3A_74, %dma_wait3A_75] : memref<1000000x32xf32, #tpu.memory_space<hbm>> -> memref<1000000x32xf32, #tpu.memory_space<hbm>>
    tpu.wait_indirect_dma semaphore(%arg11 : memref<!tpu.dma_semaphore, #tpu.memory_space<semaphore_mem>>) src(%dma_wait3A_76 : memref<1000000x32xf32, #tpu.memory_space<hbm>>) dst(%arg8 : memref<1024x32xf32, #tpu.memory_space<vmem>>)
    %add3A_77 = arith.constant 2048 : i32
    %add3A_78 = arith.addi %mul3A_2, %add3A_77 : i32
    %dma_start3A_79 = arith.constant 0 : i32
    %dma_start3A_80 = tpu.memref_slice %arg4[%add3A_78, %dma_start3A_79] : memref<819200x32xf32, #tpu.memory_space<hbm>> -> memref<1024x32xf32, #tpu.memory_space<hbm>>
    %dma_start3A_81 = arith.constant 0 : i32
    %dma_start3A_82 = tpu.memref_slice %arg4[%add3A_78, %dma_start3A_81] : memref<819200x32xf32, #tpu.memory_space<hbm>> -> memref<1024x32xf32, #tpu.memory_space<hbm>>
    tpu.enqueue_dma source(%arg8 : memref<1024x32xf32, #tpu.memory_space<vmem>>) target(%dma_start3A_82 : memref<1024x32xf32, #tpu.memory_space<hbm>>) target_semaphore(%arg14 : memref<!tpu.dma_semaphore, #tpu.memory_space<semaphore_mem>>)
    %dma_wait3A_83 = arith.constant 0 : i32
    %dma_wait3A_84 = tpu.memref_slice %arg4[%add3A_78, %dma_wait3A_83] : memref<819200x32xf32, #tpu.memory_space<hbm>> -> memref<1024x32xf32, #tpu.memory_space<hbm>>
    %dma_wait3A_85 = arith.constant 0 : i32
    %dma_wait3A_86 = tpu.memref_slice %arg4[%add3A_78, %dma_wait3A_85] : memref<819200x32xf32, #tpu.memory_space<hbm>> -> memref<1024x32xf32, #tpu.memory_space<hbm>>
    tpu.wait_dma2 semaphore(%arg14 : memref<!tpu.dma_semaphore, #tpu.memory_space<semaphore_mem>>) src(%arg8 : memref<1024x32xf32, #tpu.memory_space<vmem>>) dst(%dma_wait3A_86 : memref<1024x32xf32, #tpu.memory_space<hbm>>)
    %dma_start3A_87 = arith.constant 5 : i32
    %dma_start3A_88 = arith.constant 0 : i32
    %dma_start3A_89 = tpu.memref_slice %arg5[%dma_start3A_87, %dma_start3A_88] : memref<25x1024xi32, #tpu.memory_space<vmem>> -> memref<1x1024xi32, #tpu.memory_space<vmem>>
    %dma_start3A_90 = tpu.memref_squeeze %dma_start3A_89 : memref<1x1024xi32, #tpu.memory_space<vmem>> -> memref<1024xi32, #tpu.memory_space<vmem>>
    %dma_start3A_91 = arith.constant 0 : i32
    %dma_start3A_92 = arith.constant 0 : i32
    %dma_start3A_93 = tpu.memref_slice %arg3[%dma_start3A_91, %dma_start3A_92] : memref<1000000x32xf32, #tpu.memory_space<hbm>> -> memref<1000000x32xf32, #tpu.memory_space<hbm>>
    tpu.enqueue_indirect_dma source(%dma_start3A_93 : memref<1000000x32xf32, #tpu.memory_space<hbm>>) target(%arg8 : memref<1024x32xf32, #tpu.memory_space<vmem>>) offsets(%dma_start3A_90 : memref<1024xi32, #tpu.memory_space<vmem>>) semaphore(%arg11 : memref<!tpu.dma_semaphore, #tpu.memory_space<semaphore_mem>>)
    %dma_wait3A_94 = arith.constant 3 : i32
    %dma_wait3A_95 = arith.constant 0 : i32
    %dma_wait3A_96 = tpu.memref_slice %arg5[%dma_wait3A_94, %dma_wait3A_95] : memref<25x1024xi32, #tpu.memory_space<vmem>> -> memref<1x1024xi32, #tpu.memory_space<vmem>>
    %dma_wait3A_97 = tpu.memref_squeeze %dma_wait3A_96 : memref<1x1024xi32, #tpu.memory_space<vmem>> -> memref<1024xi32, #tpu.memory_space<vmem>>
    %dma_wait3A_98 = arith.constant 0 : i32
    %dma_wait3A_99 = arith.constant 0 : i32
    %dma_wait3A_100 = tpu.memref_slice %arg3[%dma_wait3A_98, %dma_wait3A_99] : memref<1000000x32xf32, #tpu.memory_space<hbm>> -> memref<1000000x32xf32, #tpu.memory_space<hbm>>
    tpu.wait_indirect_dma semaphore(%arg9 : memref<!tpu.dma_semaphore, #tpu.memory_space<semaphore_mem>>) src(%dma_wait3A_100 : memref<1000000x32xf32, #tpu.memory_space<hbm>>) dst(%arg6 : memref<1024x32xf32, #tpu.memory_space<vmem>>)
    %add3A_101 = arith.constant 3072 : i32
    %add3A_102 = arith.addi %mul3A_2, %add3A_101 : i32
    %dma_start3A_103 = arith.constant 0 : i32
    %dma_start3A_104 = tpu.memref_slice %arg4[%add3A_102, %dma_start3A_103] : memref<819200x32xf32, #tpu.memory_space<hbm>> -> memref<1024x32xf32, #tpu.memory_space<hbm>>
    %dma_start3A_105 = arith.constant 0 : i32
    %dma_start3A_106 = tpu.memref_slice %arg4[%add3A_102, %dma_start3A_105] : memref<819200x32xf32, #tpu.memory_space<hbm>> -> memref<1024x32xf32, #tpu.memory_space<hbm>>
    tpu.enqueue_dma source(%arg6 : memref<1024x32xf32, #tpu.memory_space<vmem>>) target(%dma_start3A_106 : memref<1024x32xf32, #tpu.memory_space<hbm>>) target_semaphore(%arg12 : memref<!tpu.dma_semaphore, #tpu.memory_space<semaphore_mem>>)
    %dma_wait3A_107 = arith.constant 0 : i32
    %dma_wait3A_108 = tpu.memref_slice %arg4[%add3A_102, %dma_wait3A_107] : memref<819200x32xf32, #tpu.memory_space<hbm>> -> memref<1024x32xf32, #tpu.memory_space<hbm>>
    %dma_wait3A_109 = arith.constant 0 : i32
    %dma_wait3A_110 = tpu.memref_slice %arg4[%add3A_102, %dma_wait3A_109] : memref<819200x32xf32, #tpu.memory_space<hbm>> -> memref<1024x32xf32, #tpu.memory_space<hbm>>
    tpu.wait_dma2 semaphore(%arg12 : memref<!tpu.dma_semaphore, #tpu.memory_space<semaphore_mem>>) src(%arg6 : memref<1024x32xf32, #tpu.memory_space<vmem>>) dst(%dma_wait3A_110 : memref<1024x32xf32, #tpu.memory_space<hbm>>)
    %dma_start3A_111 = arith.constant 6 : i32
    %dma_start3A_112 = arith.constant 0 : i32
    %dma_start3A_113 = tpu.memref_slice %arg5[%dma_start3A_111, %dma_start3A_112] : memref<25x1024xi32, #tpu.memory_space<vmem>> -> memref<1x1024xi32, #tpu.memory_space<vmem>>
    %dma_start3A_114 = tpu.memref_squeeze %dma_start3A_113 : memref<1x1024xi32, #tpu.memory_space<vmem>> -> memref<1024xi32, #tpu.memory_space<vmem>>
    %dma_start3A_115 = arith.constant 0 : i32
    %dma_start3A_116 = arith.constant 0 : i32
    %dma_start3A_117 = tpu.memref_slice %arg3[%dma_start3A_115, %dma_start3A_116] : memref<1000000x32xf32, #tpu.memory_space<hbm>> -> memref<1000000x32xf32, #tpu.memory_space<hbm>>
    tpu.enqueue_indirect_dma source(%dma_start3A_117 : memref<1000000x32xf32, #tpu.memory_space<hbm>>) target(%arg6 : memref<1024x32xf32, #tpu.memory_space<vmem>>) offsets(%dma_start3A_114 : memref<1024xi32, #tpu.memory_space<vmem>>) semaphore(%arg9 : memref<!tpu.dma_semaphore, #tpu.memory_space<semaphore_mem>>)
    %dma_wait3A_118 = arith.constant 4 : i32
    %dma_wait3A_119 = arith.constant 0 : i32
    %dma_wait3A_120 = tpu.memref_slice %arg5[%dma_wait3A_118, %dma_wait3A_119] : memref<25x1024xi32, #tpu.memory_space<vmem>> -> memref<1x1024xi32, #tpu.memory_space<vmem>>
    %dma_wait3A_121 = tpu.memref_squeeze %dma_wait3A_120 : memref<1x1024xi32, #tpu.memory_space<vmem>> -> memref<1024xi32, #tpu.memory_space<vmem>>
    %dma_wait3A_122 = arith.constant 0 : i32
    %dma_wait3A_123 = arith.constant 0 : i32
    %dma_wait3A_124 = tpu.memref_slice %arg3[%dma_wait3A_122, %dma_wait3A_123] : memref<1000000x32xf32, #tpu.memory_space<hbm>> -> memref<1000000x32xf32, #tpu.memory_space<hbm>>
    tpu.wait_indirect_dma semaphore(%arg10 : memref<!tpu.dma_semaphore, #tpu.memory_space<semaphore_mem>>) src(%dma_wait3A_124 : memref<1000000x32xf32, #tpu.memory_space<hbm>>) dst(%arg7 : memref<1024x32xf32, #tpu.memory_space<vmem>>)
    %add3A_125 = arith.constant 4096 : i32
    %add3A_126 = arith.addi %mul3A_2, %add3A_125 : i32
    %dma_start3A_127 = arith.constant 0 : i32
    %dma_start3A_128 = tpu.memref_slice %arg4[%add3A_126, %dma_start3A_127] : memref<819200x32xf32, #tpu.memory_space<hbm>> -> memref<1024x32xf32, #tpu.memory_space<hbm>>
    %dma_start3A_129 = arith.constant 0 : i32
    %dma_start3A_130 = tpu.memref_slice %arg4[%add3A_126, %dma_start3A_129] : memref<819200x32xf32, #tpu.memory_space<hbm>> -> memref<1024x32xf32, #tpu.memory_space<hbm>>
    tpu.enqueue_dma source(%arg7 : memref<1024x32xf32, #tpu.memory_space<vmem>>) target(%dma_start3A_130 : memref<1024x32xf32, #tpu.memory_space<hbm>>) target_semaphore(%arg13 : memref<!tpu.dma_semaphore, #tpu.memory_space<semaphore_mem>>)
    %dma_wait3A_131 = arith.constant 0 : i32
    %dma_wait3A_132 = tpu.memref_slice %arg4[%add3A_126, %dma_wait3A_131] : memref<819200x32xf32, #tpu.memory_space<hbm>> -> memref<1024x32xf32, #tpu.memory_space<hbm>>
    %dma_wait3A_133 = arith.constant 0 : i32
    %dma_wait3A_134 = tpu.memref_slice %arg4[%add3A_126, %dma_wait3A_133] : memref<819200x32xf32, #tpu.memory_space<hbm>> -> memref<1024x32xf32, #tpu.memory_space<hbm>>
    tpu.wait_dma2 semaphore(%arg13 : memref<!tpu.dma_semaphore, #tpu.memory_space<semaphore_mem>>) src(%arg7 : memref<1024x32xf32, #tpu.memory_space<vmem>>) dst(%dma_wait3A_134 : memref<1024x32xf32, #tpu.memory_space<hbm>>)
    %dma_start3A_135 = arith.constant 7 : i32
    %dma_start3A_136 = arith.constant 0 : i32
    %dma_start3A_137 = tpu.memref_slice %arg5[%dma_start3A_135, %dma_start3A_136] : memref<25x1024xi32, #tpu.memory_space<vmem>> -> memref<1x1024xi32, #tpu.memory_space<vmem>>
    %dma_start3A_138 = tpu.memref_squeeze %dma_start3A_137 : memref<1x1024xi32, #tpu.memory_space<vmem>> -> memref<1024xi32, #tpu.memory_space<vmem>>
    %dma_start3A_139 = arith.constant 0 : i32
    %dma_start3A_140 = arith.constant 0 : i32
    %dma_start3A_141 = tpu.memref_slice %arg3[%dma_start3A_139, %dma_start3A_140] : memref<1000000x32xf32, #tpu.memory_space<hbm>> -> memref<1000000x32xf32, #tpu.memory_space<hbm>>
    tpu.enqueue_indirect_dma source(%dma_start3A_141 : memref<1000000x32xf32, #tpu.memory_space<hbm>>) target(%arg7 : memref<1024x32xf32, #tpu.memory_space<vmem>>) offsets(%dma_start3A_138 : memref<1024xi32, #tpu.memory_space<vmem>>) semaphore(%arg10 : memref<!tpu.dma_semaphore, #tpu.memory_space<semaphore_mem>>)
    %dma_wait3A_142 = arith.constant 5 : i32
    %dma_wait3A_143 = arith.constant 0 : i32
    %dma_wait3A_144 = tpu.memref_slice %arg5[%dma_wait3A_142, %dma_wait3A_143] : memref<25x1024xi32, #tpu.memory_space<vmem>> -> memref<1x1024xi32, #tpu.memory_space<vmem>>
    %dma_wait3A_145 = tpu.memref_squeeze %dma_wait3A_144 : memref<1x1024xi32, #tpu.memory_space<vmem>> -> memref<1024xi32, #tpu.memory_space<vmem>>
    %dma_wait3A_146 = arith.constant 0 : i32
    %dma_wait3A_147 = arith.constant 0 : i32
    %dma_wait3A_148 = tpu.memref_slice %arg3[%dma_wait3A_146, %dma_wait3A_147] : memref<1000000x32xf32, #tpu.memory_space<hbm>> -> memref<1000000x32xf32, #tpu.memory_space<hbm>>
    tpu.wait_indirect_dma semaphore(%arg11 : memref<!tpu.dma_semaphore, #tpu.memory_space<semaphore_mem>>) src(%dma_wait3A_148 : memref<1000000x32xf32, #tpu.memory_space<hbm>>) dst(%arg8 : memref<1024x32xf32, #tpu.memory_space<vmem>>)
    %add3A_149 = arith.constant 5120 : i32
    %add3A_150 = arith.addi %mul3A_2, %add3A_149 : i32
    %dma_start3A_151 = arith.constant 0 : i32
    %dma_start3A_152 = tpu.memref_slice %arg4[%add3A_150, %dma_start3A_151] : memref<819200x32xf32, #tpu.memory_space<hbm>> -> memref<1024x32xf32, #tpu.memory_space<hbm>>
    %dma_start3A_153 = arith.constant 0 : i32
    %dma_start3A_154 = tpu.memref_slice %arg4[%add3A_150, %dma_start3A_153] : memref<819200x32xf32, #tpu.memory_space<hbm>> -> memref<1024x32xf32, #tpu.memory_space<hbm>>
    tpu.enqueue_dma source(%arg8 : memref<1024x32xf32, #tpu.memory_space<vmem>>) target(%dma_start3A_154 : memref<1024x32xf32, #tpu.memory_space<hbm>>) target_semaphore(%arg14 : memref<!tpu.dma_semaphore, #tpu.memory_space<semaphore_mem>>)
    %dma_wait3A_155 = arith.constant 0 : i32
    %dma_wait3A_156 = tpu.memref_slice %arg4[%add3A_150, %dma_wait3A_155] : memref<819200x32xf32, #tpu.memory_space<hbm>> -> memref<1024x32xf32, #tpu.memory_space<hbm>>
    %dma_wait3A_157 = arith.constant 0 : i32
    %dma_wait3A_158 = tpu.memref_slice %arg4[%add3A_150, %dma_wait3A_157] : memref<819200x32xf32, #tpu.memory_space<hbm>> -> memref<1024x32xf32, #tpu.memory_space<hbm>>
    tpu.wait_dma2 semaphore(%arg14 : memref<!tpu.dma_semaphore, #tpu.memory_space<semaphore_mem>>) src(%arg8 : memref<1024x32xf32, #tpu.memory_space<vmem>>) dst(%dma_wait3A_158 : memref<1024x32xf32, #tpu.memory_space<hbm>>)
    %dma_start3A_159 = arith.constant 8 : i32
    %dma_start3A_160 = arith.constant 0 : i32
    %dma_start3A_161 = tpu.memref_slice %arg5[%dma_start3A_159, %dma_start3A_160] : memref<25x1024xi32, #tpu.memory_space<vmem>> -> memref<1x1024xi32, #tpu.memory_space<vmem>>
    %dma_start3A_162 = tpu.memref_squeeze %dma_start3A_161 : memref<1x1024xi32, #tpu.memory_space<vmem>> -> memref<1024xi32, #tpu.memory_space<vmem>>
    %dma_start3A_163 = arith.constant 0 : i32
    %dma_start3A_164 = arith.constant 0 : i32
    %dma_start3A_165 = tpu.memref_slice %arg3[%dma_start3A_163, %dma_start3A_164] : memref<1000000x32xf32, #tpu.memory_space<hbm>> -> memref<1000000x32xf32, #tpu.memory_space<hbm>>
    tpu.enqueue_indirect_dma source(%dma_start3A_165 : memref<1000000x32xf32, #tpu.memory_space<hbm>>) target(%arg8 : memref<1024x32xf32, #tpu.memory_space<vmem>>) offsets(%dma_start3A_162 : memref<1024xi32, #tpu.memory_space<vmem>>) semaphore(%arg11 : memref<!tpu.dma_semaphore, #tpu.memory_space<semaphore_mem>>)
    %dma_wait3A_166 = arith.constant 6 : i32
    %dma_wait3A_167 = arith.constant 0 : i32
    %dma_wait3A_168 = tpu.memref_slice %arg5[%dma_wait3A_166, %dma_wait3A_167] : memref<25x1024xi32, #tpu.memory_space<vmem>> -> memref<1x1024xi32, #tpu.memory_space<vmem>>
    %dma_wait3A_169 = tpu.memref_squeeze %dma_wait3A_168 : memref<1x1024xi32, #tpu.memory_space<vmem>> -> memref<1024xi32, #tpu.memory_space<vmem>>
    %dma_wait3A_170 = arith.constant 0 : i32
    %dma_wait3A_171 = arith.constant 0 : i32
    %dma_wait3A_172 = tpu.memref_slice %arg3[%dma_wait3A_170, %dma_wait3A_171] : memref<1000000x32xf32, #tpu.memory_space<hbm>> -> memref<1000000x32xf32, #tpu.memory_space<hbm>>
    tpu.wait_indirect_dma semaphore(%arg9 : memref<!tpu.dma_semaphore, #tpu.memory_space<semaphore_mem>>) src(%dma_wait3A_172 : memref<1000000x32xf32, #tpu.memory_space<hbm>>) dst(%arg6 : memref<1024x32xf32, #tpu.memory_space<vmem>>)
    %add3A_173 = arith.constant 6144 : i32
    %add3A_174 = arith.addi %mul3A_2, %add3A_173 : i32
    %dma_start3A_175 = arith.constant 0 : i32
    %dma_start3A_176 = tpu.memref_slice %arg4[%add3A_174, %dma_start3A_175] : memref<819200x32xf32, #tpu.memory_space<hbm>> -> memref<1024x32xf32, #tpu.memory_space<hbm>>
    %dma_start3A_177 = arith.constant 0 : i32
    %dma_start3A_178 = tpu.memref_slice %arg4[%add3A_174, %dma_start3A_177] : memref<819200x32xf32, #tpu.memory_space<hbm>> -> memref<1024x32xf32, #tpu.memory_space<hbm>>
    tpu.enqueue_dma source(%arg6 : memref<1024x32xf32, #tpu.memory_space<vmem>>) target(%dma_start3A_178 : memref<1024x32xf32, #tpu.memory_space<hbm>>) target_semaphore(%arg12 : memref<!tpu.dma_semaphore, #tpu.memory_space<semaphore_mem>>)
    %dma_wait3A_179 = arith.constant 0 : i32
    %dma_wait3A_180 = tpu.memref_slice %arg4[%add3A_174, %dma_wait3A_179] : memref<819200x32xf32, #tpu.memory_space<hbm>> -> memref<1024x32xf32, #tpu.memory_space<hbm>>
    %dma_wait3A_181 = arith.constant 0 : i32
    %dma_wait3A_182 = tpu.memref_slice %arg4[%add3A_174, %dma_wait3A_181] : memref<819200x32xf32, #tpu.memory_space<hbm>> -> memref<1024x32xf32, #tpu.memory_space<hbm>>
    tpu.wait_dma2 semaphore(%arg12 : memref<!tpu.dma_semaphore, #tpu.memory_space<semaphore_mem>>) src(%arg6 : memref<1024x32xf32, #tpu.memory_space<vmem>>) dst(%dma_wait3A_182 : memref<1024x32xf32, #tpu.memory_space<hbm>>)
    %dma_start3A_183 = arith.constant 9 : i32
    %dma_start3A_184 = arith.constant 0 : i32
    %dma_start3A_185 = tpu.memref_slice %arg5[%dma_start3A_183, %dma_start3A_184] : memref<25x1024xi32, #tpu.memory_space<vmem>> -> memref<1x1024xi32, #tpu.memory_space<vmem>>
    %dma_start3A_186 = tpu.memref_squeeze %dma_start3A_185 : memref<1x1024xi32, #tpu.memory_space<vmem>> -> memref<1024xi32, #tpu.memory_space<vmem>>
    %dma_start3A_187 = arith.constant 0 : i32
    %dma_start3A_188 = arith.constant 0 : i32
    %dma_start3A_189 = tpu.memref_slice %arg3[%dma_start3A_187, %dma_start3A_188] : memref<1000000x32xf32, #tpu.memory_space<hbm>> -> memref<1000000x32xf32, #tpu.memory_space<hbm>>
    tpu.enqueue_indirect_dma source(%dma_start3A_189 : memref<1000000x32xf32, #tpu.memory_space<hbm>>) target(%arg6 : memref<1024x32xf32, #tpu.memory_space<vmem>>) offsets(%dma_start3A_186 : memref<1024xi32, #tpu.memory_space<vmem>>) semaphore(%arg9 : memref<!tpu.dma_semaphore, #tpu.memory_space<semaphore_mem>>)
    %dma_wait3A_190 = arith.constant 7 : i32
    %dma_wait3A_191 = arith.constant 0 : i32
    %dma_wait3A_192 = tpu.memref_slice %arg5[%dma_wait3A_190, %dma_wait3A_191] : memref<25x1024xi32, #tpu.memory_space<vmem>> -> memref<1x1024xi32, #tpu.memory_space<vmem>>
    %dma_wait3A_193 = tpu.memref_squeeze %dma_wait3A_192 : memref<1x1024xi32, #tpu.memory_space<vmem>> -> memref<1024xi32, #tpu.memory_space<vmem>>
    %dma_wait3A_194 = arith.constant 0 : i32
    %dma_wait3A_195 = arith.constant 0 : i32
    %dma_wait3A_196 = tpu.memref_slice %arg3[%dma_wait3A_194, %dma_wait3A_195] : memref<1000000x32xf32, #tpu.memory_space<hbm>> -> memref<1000000x32xf32, #tpu.memory_space<hbm>>
    tpu.wait_indirect_dma semaphore(%arg10 : memref<!tpu.dma_semaphore, #tpu.memory_space<semaphore_mem>>) src(%dma_wait3A_196 : memref<1000000x32xf32, #tpu.memory_space<hbm>>) dst(%arg7 : memref<1024x32xf32, #tpu.memory_space<vmem>>)
    %add3A_197 = arith.constant 7168 : i32
    %add3A_198 = arith.addi %mul3A_2, %add3A_197 : i32
    %dma_start3A_199 = arith.constant 0 : i32
    %dma_start3A_200 = tpu.memref_slice %arg4[%add3A_198, %dma_start3A_199] : memref<819200x32xf32, #tpu.memory_space<hbm>> -> memref<1024x32xf32, #tpu.memory_space<hbm>>
    %dma_start3A_201 = arith.constant 0 : i32
    %dma_start3A_202 = tpu.memref_slice %arg4[%add3A_198, %dma_start3A_201] : memref<819200x32xf32, #tpu.memory_space<hbm>> -> memref<1024x32xf32, #tpu.memory_space<hbm>>
    tpu.enqueue_dma source(%arg7 : memref<1024x32xf32, #tpu.memory_space<vmem>>) target(%dma_start3A_202 : memref<1024x32xf32, #tpu.memory_space<hbm>>) target_semaphore(%arg13 : memref<!tpu.dma_semaphore, #tpu.memory_space<semaphore_mem>>)
    %dma_wait3A_203 = arith.constant 0 : i32
    %dma_wait3A_204 = tpu.memref_slice %arg4[%add3A_198, %dma_wait3A_203] : memref<819200x32xf32, #tpu.memory_space<hbm>> -> memref<1024x32xf32, #tpu.memory_space<hbm>>
    %dma_wait3A_205 = arith.constant 0 : i32
    %dma_wait3A_206 = tpu.memref_slice %arg4[%add3A_198, %dma_wait3A_205] : memref<819200x32xf32, #tpu.memory_space<hbm>> -> memref<1024x32xf32, #tpu.memory_space<hbm>>
    tpu.wait_dma2 semaphore(%arg13 : memref<!tpu.dma_semaphore, #tpu.memory_space<semaphore_mem>>) src(%arg7 : memref<1024x32xf32, #tpu.memory_space<vmem>>) dst(%dma_wait3A_206 : memref<1024x32xf32, #tpu.memory_space<hbm>>)
    %dma_start3A_207 = arith.constant 10 : i32
    %dma_start3A_208 = arith.constant 0 : i32
    %dma_start3A_209 = tpu.memref_slice %arg5[%dma_start3A_207, %dma_start3A_208] : memref<25x1024xi32, #tpu.memory_space<vmem>> -> memref<1x1024xi32, #tpu.memory_space<vmem>>
    %dma_start3A_210 = tpu.memref_squeeze %dma_start3A_209 : memref<1x1024xi32, #tpu.memory_space<vmem>> -> memref<1024xi32, #tpu.memory_space<vmem>>
    %dma_start3A_211 = arith.constant 0 : i32
    %dma_start3A_212 = arith.constant 0 : i32
    %dma_start3A_213 = tpu.memref_slice %arg3[%dma_start3A_211, %dma_start3A_212] : memref<1000000x32xf32, #tpu.memory_space<hbm>> -> memref<1000000x32xf32, #tpu.memory_space<hbm>>
    tpu.enqueue_indirect_dma source(%dma_start3A_213 : memref<1000000x32xf32, #tpu.memory_space<hbm>>) target(%arg7 : memref<1024x32xf32, #tpu.memory_space<vmem>>) offsets(%dma_start3A_210 : memref<1024xi32, #tpu.memory_space<vmem>>) semaphore(%arg10 : memref<!tpu.dma_semaphore, #tpu.memory_space<semaphore_mem>>)
    %dma_wait3A_214 = arith.constant 8 : i32
    %dma_wait3A_215 = arith.constant 0 : i32
    %dma_wait3A_216 = tpu.memref_slice %arg5[%dma_wait3A_214, %dma_wait3A_215] : memref<25x1024xi32, #tpu.memory_space<vmem>> -> memref<1x1024xi32, #tpu.memory_space<vmem>>
    %dma_wait3A_217 = tpu.memref_squeeze %dma_wait3A_216 : memref<1x1024xi32, #tpu.memory_space<vmem>> -> memref<1024xi32, #tpu.memory_space<vmem>>
    %dma_wait3A_218 = arith.constant 0 : i32
    %dma_wait3A_219 = arith.constant 0 : i32
    %dma_wait3A_220 = tpu.memref_slice %arg3[%dma_wait3A_218, %dma_wait3A_219] : memref<1000000x32xf32, #tpu.memory_space<hbm>> -> memref<1000000x32xf32, #tpu.memory_space<hbm>>
    tpu.wait_indirect_dma semaphore(%arg11 : memref<!tpu.dma_semaphore, #tpu.memory_space<semaphore_mem>>) src(%dma_wait3A_220 : memref<1000000x32xf32, #tpu.memory_space<hbm>>) dst(%arg8 : memref<1024x32xf32, #tpu.memory_space<vmem>>)
    %add3A_221 = arith.constant 8192 : i32
    %add3A_222 = arith.addi %mul3A_2, %add3A_221 : i32
    %dma_start3A_223 = arith.constant 0 : i32
    %dma_start3A_224 = tpu.memref_slice %arg4[%add3A_222, %dma_start3A_223] : memref<819200x32xf32, #tpu.memory_space<hbm>> -> memref<1024x32xf32, #tpu.memory_space<hbm>>
    %dma_start3A_225 = arith.constant 0 : i32
    %dma_start3A_226 = tpu.memref_slice %arg4[%add3A_222, %dma_start3A_225] : memref<819200x32xf32, #tpu.memory_space<hbm>> -> memref<1024x32xf32, #tpu.memory_space<hbm>>
    tpu.enqueue_dma source(%arg8 : memref<1024x32xf32, #tpu.memory_space<vmem>>) target(%dma_start3A_226 : memref<1024x32xf32, #tpu.memory_space<hbm>>) target_semaphore(%arg14 : memref<!tpu.dma_semaphore, #tpu.memory_space<semaphore_mem>>)
    %dma_wait3A_227 = arith.constant 0 : i32
    %dma_wait3A_228 = tpu.memref_slice %arg4[%add3A_222, %dma_wait3A_227] : memref<819200x32xf32, #tpu.memory_space<hbm>> -> memref<1024x32xf32, #tpu.memory_space<hbm>>
    %dma_wait3A_229 = arith.constant 0 : i32
    %dma_wait3A_230 = tpu.memref_slice %arg4[%add3A_222, %dma_wait3A_229] : memref<819200x32xf32, #tpu.memory_space<hbm>> -> memref<1024x32xf32, #tpu.memory_space<hbm>>
    tpu.wait_dma2 semaphore(%arg14 : memref<!tpu.dma_semaphore, #tpu.memory_space<semaphore_mem>>) src(%arg8 : memref<1024x32xf32, #tpu.memory_space<vmem>>) dst(%dma_wait3A_230 : memref<1024x32xf32, #tpu.memory_space<hbm>>)
    %dma_start3A_231 = arith.constant 11 : i32
    %dma_start3A_232 = arith.constant 0 : i32
    %dma_start3A_233 = tpu.memref_slice %arg5[%dma_start3A_231, %dma_start3A_232] : memref<25x1024xi32, #tpu.memory_space<vmem>> -> memref<1x1024xi32, #tpu.memory_space<vmem>>
    %dma_start3A_234 = tpu.memref_squeeze %dma_start3A_233 : memref<1x1024xi32, #tpu.memory_space<vmem>> -> memref<1024xi32, #tpu.memory_space<vmem>>
    %dma_start3A_235 = arith.constant 0 : i32
    %dma_start3A_236 = arith.constant 0 : i32
    %dma_start3A_237 = tpu.memref_slice %arg3[%dma_start3A_235, %dma_start3A_236] : memref<1000000x32xf32, #tpu.memory_space<hbm>> -> memref<1000000x32xf32, #tpu.memory_space<hbm>>
    tpu.enqueue_indirect_dma source(%dma_start3A_237 : memref<1000000x32xf32, #tpu.memory_space<hbm>>) target(%arg8 : memref<1024x32xf32, #tpu.memory_space<vmem>>) offsets(%dma_start3A_234 : memref<1024xi32, #tpu.memory_space<vmem>>) semaphore(%arg11 : memref<!tpu.dma_semaphore, #tpu.memory_space<semaphore_mem>>)
    %dma_wait3A_238 = arith.constant 9 : i32
    %dma_wait3A_239 = arith.constant 0 : i32
    %dma_wait3A_240 = tpu.memref_slice %arg5[%dma_wait3A_238, %dma_wait3A_239] : memref<25x1024xi32, #tpu.memory_space<vmem>> -> memref<1x1024xi32, #tpu.memory_space<vmem>>
    %dma_wait3A_241 = tpu.memref_squeeze %dma_wait3A_240 : memref<1x1024xi32, #tpu.memory_space<vmem>> -> memref<1024xi32, #tpu.memory_space<vmem>>
    %dma_wait3A_242 = arith.constant 0 : i32
    %dma_wait3A_243 = arith.constant 0 : i32
    %dma_wait3A_244 = tpu.memref_slice %arg3[%dma_wait3A_242, %dma_wait3A_243] : memref<1000000x32xf32, #tpu.memory_space<hbm>> -> memref<1000000x32xf32, #tpu.memory_space<hbm>>
    tpu.wait_indirect_dma semaphore(%arg9 : memref<!tpu.dma_semaphore, #tpu.memory_space<semaphore_mem>>) src(%dma_wait3A_244 : memref<1000000x32xf32, #tpu.memory_space<hbm>>) dst(%arg6 : memref<1024x32xf32, #tpu.memory_space<vmem>>)
    %add3A_245 = arith.constant 9216 : i32
    %add3A_246 = arith.addi %mul3A_2, %add3A_245 : i32
    %dma_start3A_247 = arith.constant 0 : i32
    %dma_start3A_248 = tpu.memref_slice %arg4[%add3A_246, %dma_start3A_247] : memref<819200x32xf32, #tpu.memory_space<hbm>> -> memref<1024x32xf32, #tpu.memory_space<hbm>>
    %dma_start3A_249 = arith.constant 0 : i32
    %dma_start3A_250 = tpu.memref_slice %arg4[%add3A_246, %dma_start3A_249] : memref<819200x32xf32, #tpu.memory_space<hbm>> -> memref<1024x32xf32, #tpu.memory_space<hbm>>
    tpu.enqueue_dma source(%arg6 : memref<1024x32xf32, #tpu.memory_space<vmem>>) target(%dma_start3A_250 : memref<1024x32xf32, #tpu.memory_space<hbm>>) target_semaphore(%arg12 : memref<!tpu.dma_semaphore, #tpu.memory_space<semaphore_mem>>)
    %dma_wait3A_251 = arith.constant 0 : i32
    %dma_wait3A_252 = tpu.memref_slice %arg4[%add3A_246, %dma_wait3A_251] : memref<819200x32xf32, #tpu.memory_space<hbm>> -> memref<1024x32xf32, #tpu.memory_space<hbm>>
    %dma_wait3A_253 = arith.constant 0 : i32
    %dma_wait3A_254 = tpu.memref_slice %arg4[%add3A_246, %dma_wait3A_253] : memref<819200x32xf32, #tpu.memory_space<hbm>> -> memref<1024x32xf32, #tpu.memory_space<hbm>>
    tpu.wait_dma2 semaphore(%arg12 : memref<!tpu.dma_semaphore, #tpu.memory_space<semaphore_mem>>) src(%arg6 : memref<1024x32xf32, #tpu.memory_space<vmem>>) dst(%dma_wait3A_254 : memref<1024x32xf32, #tpu.memory_space<hbm>>)
    %dma_start3A_255 = arith.constant 12 : i32
    %dma_start3A_256 = arith.constant 0 : i32
    %dma_start3A_257 = tpu.memref_slice %arg5[%dma_start3A_255, %dma_start3A_256] : memref<25x1024xi32, #tpu.memory_space<vmem>> -> memref<1x1024xi32, #tpu.memory_space<vmem>>
    %dma_start3A_258 = tpu.memref_squeeze %dma_start3A_257 : memref<1x1024xi32, #tpu.memory_space<vmem>> -> memref<1024xi32, #tpu.memory_space<vmem>>
    %dma_start3A_259 = arith.constant 0 : i32
    %dma_start3A_260 = arith.constant 0 : i32
    %dma_start3A_261 = tpu.memref_slice %arg3[%dma_start3A_259, %dma_start3A_260] : memref<1000000x32xf32, #tpu.memory_space<hbm>> -> memref<1000000x32xf32, #tpu.memory_space<hbm>>
    tpu.enqueue_indirect_dma source(%dma_start3A_261 : memref<1000000x32xf32, #tpu.memory_space<hbm>>) target(%arg6 : memref<1024x32xf32, #tpu.memory_space<vmem>>) offsets(%dma_start3A_258 : memref<1024xi32, #tpu.memory_space<vmem>>) semaphore(%arg9 : memref<!tpu.dma_semaphore, #tpu.memory_space<semaphore_mem>>)
    %dma_wait3A_262 = arith.constant 10 : i32
    %dma_wait3A_263 = arith.constant 0 : i32
    %dma_wait3A_264 = tpu.memref_slice %arg5[%dma_wait3A_262, %dma_wait3A_263] : memref<25x1024xi32, #tpu.memory_space<vmem>> -> memref<1x1024xi32, #tpu.memory_space<vmem>>
    %dma_wait3A_265 = tpu.memref_squeeze %dma_wait3A_264 : memref<1x1024xi32, #tpu.memory_space<vmem>> -> memref<1024xi32, #tpu.memory_space<vmem>>
    %dma_wait3A_266 = arith.constant 0 : i32
    %dma_wait3A_267 = arith.constant 0 : i32
    %dma_wait3A_268 = tpu.memref_slice %arg3[%dma_wait3A_266, %dma_wait3A_267] : memref<1000000x32xf32, #tpu.memory_space<hbm>> -> memref<1000000x32xf32, #tpu.memory_space<hbm>>
    tpu.wait_indirect_dma semaphore(%arg10 : memref<!tpu.dma_semaphore, #tpu.memory_space<semaphore_mem>>) src(%dma_wait3A_268 : memref<1000000x32xf32, #tpu.memory_space<hbm>>) dst(%arg7 : memref<1024x32xf32, #tpu.memory_space<vmem>>)
    %add3A_269 = arith.constant 10240 : i32
    %add3A_270 = arith.addi %mul3A_2, %add3A_269 : i32
    %dma_start3A_271 = arith.constant 0 : i32
    %dma_start3A_272 = tpu.memref_slice %arg4[%add3A_270, %dma_start3A_271] : memref<819200x32xf32, #tpu.memory_space<hbm>> -> memref<1024x32xf32, #tpu.memory_space<hbm>>
    %dma_start3A_273 = arith.constant 0 : i32
    %dma_start3A_274 = tpu.memref_slice %arg4[%add3A_270, %dma_start3A_273] : memref<819200x32xf32, #tpu.memory_space<hbm>> -> memref<1024x32xf32, #tpu.memory_space<hbm>>
    tpu.enqueue_dma source(%arg7 : memref<1024x32xf32, #tpu.memory_space<vmem>>) target(%dma_start3A_274 : memref<1024x32xf32, #tpu.memory_space<hbm>>) target_semaphore(%arg13 : memref<!tpu.dma_semaphore, #tpu.memory_space<semaphore_mem>>)
    %dma_wait3A_275 = arith.constant 0 : i32
    %dma_wait3A_276 = tpu.memref_slice %arg4[%add3A_270, %dma_wait3A_275] : memref<819200x32xf32, #tpu.memory_space<hbm>> -> memref<1024x32xf32, #tpu.memory_space<hbm>>
    %dma_wait3A_277 = arith.constant 0 : i32
    %dma_wait3A_278 = tpu.memref_slice %arg4[%add3A_270, %dma_wait3A_277] : memref<819200x32xf32, #tpu.memory_space<hbm>> -> memref<1024x32xf32, #tpu.memory_space<hbm>>
    tpu.wait_dma2 semaphore(%arg13 : memref<!tpu.dma_semaphore, #tpu.memory_space<semaphore_mem>>) src(%arg7 : memref<1024x32xf32, #tpu.memory_space<vmem>>) dst(%dma_wait3A_278 : memref<1024x32xf32, #tpu.memory_space<hbm>>)
    %dma_start3A_279 = arith.constant 13 : i32
    %dma_start3A_280 = arith.constant 0 : i32
    %dma_start3A_281 = tpu.memref_slice %arg5[%dma_start3A_279, %dma_start3A_280] : memref<25x1024xi32, #tpu.memory_space<vmem>> -> memref<1x1024xi32, #tpu.memory_space<vmem>>
    %dma_start3A_282 = tpu.memref_squeeze %dma_start3A_281 : memref<1x1024xi32, #tpu.memory_space<vmem>> -> memref<1024xi32, #tpu.memory_space<vmem>>
    %dma_start3A_283 = arith.constant 0 : i32
    %dma_start3A_284 = arith.constant 0 : i32
    %dma_start3A_285 = tpu.memref_slice %arg3[%dma_start3A_283, %dma_start3A_284] : memref<1000000x32xf32, #tpu.memory_space<hbm>> -> memref<1000000x32xf32, #tpu.memory_space<hbm>>
    tpu.enqueue_indirect_dma source(%dma_start3A_285 : memref<1000000x32xf32, #tpu.memory_space<hbm>>) target(%arg7 : memref<1024x32xf32, #tpu.memory_space<vmem>>) offsets(%dma_start3A_282 : memref<1024xi32, #tpu.memory_space<vmem>>) semaphore(%arg10 : memref<!tpu.dma_semaphore, #tpu.memory_space<semaphore_mem>>)
    %dma_wait3A_286 = arith.constant 11 : i32
    %dma_wait3A_287 = arith.constant 0 : i32
    %dma_wait3A_288 = tpu.memref_slice %arg5[%dma_wait3A_286, %dma_wait3A_287] : memref<25x1024xi32, #tpu.memory_space<vmem>> -> memref<1x1024xi32, #tpu.memory_space<vmem>>
    %dma_wait3A_289 = tpu.memref_squeeze %dma_wait3A_288 : memref<1x1024xi32, #tpu.memory_space<vmem>> -> memref<1024xi32, #tpu.memory_space<vmem>>
    %dma_wait3A_290 = arith.constant 0 : i32
    %dma_wait3A_291 = arith.constant 0 : i32
    %dma_wait3A_292 = tpu.memref_slice %arg3[%dma_wait3A_290, %dma_wait3A_291] : memref<1000000x32xf32, #tpu.memory_space<hbm>> -> memref<1000000x32xf32, #tpu.memory_space<hbm>>
    tpu.wait_indirect_dma semaphore(%arg11 : memref<!tpu.dma_semaphore, #tpu.memory_space<semaphore_mem>>) src(%dma_wait3A_292 : memref<1000000x32xf32, #tpu.memory_space<hbm>>) dst(%arg8 : memref<1024x32xf32, #tpu.memory_space<vmem>>)
    %add3A_293 = arith.constant 11264 : i32
    %add3A_294 = arith.addi %mul3A_2, %add3A_293 : i32
    %dma_start3A_295 = arith.constant 0 : i32
    %dma_start3A_296 = tpu.memref_slice %arg4[%add3A_294, %dma_start3A_295] : memref<819200x32xf32, #tpu.memory_space<hbm>> -> memref<1024x32xf32, #tpu.memory_space<hbm>>
    %dma_start3A_297 = arith.constant 0 : i32
    %dma_start3A_298 = tpu.memref_slice %arg4[%add3A_294, %dma_start3A_297] : memref<819200x32xf32, #tpu.memory_space<hbm>> -> memref<1024x32xf32, #tpu.memory_space<hbm>>
    tpu.enqueue_dma source(%arg8 : memref<1024x32xf32, #tpu.memory_space<vmem>>) target(%dma_start3A_298 : memref<1024x32xf32, #tpu.memory_space<hbm>>) target_semaphore(%arg14 : memref<!tpu.dma_semaphore, #tpu.memory_space<semaphore_mem>>)
    %dma_wait3A_299 = arith.constant 0 : i32
    %dma_wait3A_300 = tpu.memref_slice %arg4[%add3A_294, %dma_wait3A_299] : memref<819200x32xf32, #tpu.memory_space<hbm>> -> memref<1024x32xf32, #tpu.memory_space<hbm>>
    %dma_wait3A_301 = arith.constant 0 : i32
    %dma_wait3A_302 = tpu.memref_slice %arg4[%add3A_294, %dma_wait3A_301] : memref<819200x32xf32, #tpu.memory_space<hbm>> -> memref<1024x32xf32, #tpu.memory_space<hbm>>
    tpu.wait_dma2 semaphore(%arg14 : memref<!tpu.dma_semaphore, #tpu.memory_space<semaphore_mem>>) src(%arg8 : memref<1024x32xf32, #tpu.memory_space<vmem>>) dst(%dma_wait3A_302 : memref<1024x32xf32, #tpu.memory_space<hbm>>)
    %dma_start3A_303 = arith.constant 14 : i32
    %dma_start3A_304 = arith.constant 0 : i32
    %dma_start3A_305 = tpu.memref_slice %arg5[%dma_start3A_303, %dma_start3A_304] : memref<25x1024xi32, #tpu.memory_space<vmem>> -> memref<1x1024xi32, #tpu.memory_space<vmem>>
    %dma_start3A_306 = tpu.memref_squeeze %dma_start3A_305 : memref<1x1024xi32, #tpu.memory_space<vmem>> -> memref<1024xi32, #tpu.memory_space<vmem>>
    %dma_start3A_307 = arith.constant 0 : i32
    %dma_start3A_308 = arith.constant 0 : i32
    %dma_start3A_309 = tpu.memref_slice %arg3[%dma_start3A_307, %dma_start3A_308] : memref<1000000x32xf32, #tpu.memory_space<hbm>> -> memref<1000000x32xf32, #tpu.memory_space<hbm>>
    tpu.enqueue_indirect_dma source(%dma_start3A_309 : memref<1000000x32xf32, #tpu.memory_space<hbm>>) target(%arg8 : memref<1024x32xf32, #tpu.memory_space<vmem>>) offsets(%dma_start3A_306 : memref<1024xi32, #tpu.memory_space<vmem>>) semaphore(%arg11 : memref<!tpu.dma_semaphore, #tpu.memory_space<semaphore_mem>>)
    %dma_wait3A_310 = arith.constant 12 : i32
    %dma_wait3A_311 = arith.constant 0 : i32
    %dma_wait3A_312 = tpu.memref_slice %arg5[%dma_wait3A_310, %dma_wait3A_311] : memref<25x1024xi32, #tpu.memory_space<vmem>> -> memref<1x1024xi32, #tpu.memory_space<vmem>>
    %dma_wait3A_313 = tpu.memref_squeeze %dma_wait3A_312 : memref<1x1024xi32, #tpu.memory_space<vmem>> -> memref<1024xi32, #tpu.memory_space<vmem>>
    %dma_wait3A_314 = arith.constant 0 : i32
    %dma_wait3A_315 = arith.constant 0 : i32
    %dma_wait3A_316 = tpu.memref_slice %arg3[%dma_wait3A_314, %dma_wait3A_315] : memref<1000000x32xf32, #tpu.memory_space<hbm>> -> memref<1000000x32xf32, #tpu.memory_space<hbm>>
    tpu.wait_indirect_dma semaphore(%arg9 : memref<!tpu.dma_semaphore, #tpu.memory_space<semaphore_mem>>) src(%dma_wait3A_316 : memref<1000000x32xf32, #tpu.memory_space<hbm>>) dst(%arg6 : memref<1024x32xf32, #tpu.memory_space<vmem>>)
    %add3A_317 = arith.constant 12288 : i32
    %add3A_318 = arith.addi %mul3A_2, %add3A_317 : i32
    %dma_start3A_319 = arith.constant 0 : i32
    %dma_start3A_320 = tpu.memref_slice %arg4[%add3A_318, %dma_start3A_319] : memref<819200x32xf32, #tpu.memory_space<hbm>> -> memref<1024x32xf32, #tpu.memory_space<hbm>>
    %dma_start3A_321 = arith.constant 0 : i32
    %dma_start3A_322 = tpu.memref_slice %arg4[%add3A_318, %dma_start3A_321] : memref<819200x32xf32, #tpu.memory_space<hbm>> -> memref<1024x32xf32, #tpu.memory_space<hbm>>
    tpu.enqueue_dma source(%arg6 : memref<1024x32xf32, #tpu.memory_space<vmem>>) target(%dma_start3A_322 : memref<1024x32xf32, #tpu.memory_space<hbm>>) target_semaphore(%arg12 : memref<!tpu.dma_semaphore, #tpu.memory_space<semaphore_mem>>)
    %dma_wait3A_323 = arith.constant 0 : i32
    %dma_wait3A_324 = tpu.memref_slice %arg4[%add3A_318, %dma_wait3A_323] : memref<819200x32xf32, #tpu.memory_space<hbm>> -> memref<1024x32xf32, #tpu.memory_space<hbm>>
    %dma_wait3A_325 = arith.constant 0 : i32
    %dma_wait3A_326 = tpu.memref_slice %arg4[%add3A_318, %dma_wait3A_325] : memref<819200x32xf32, #tpu.memory_space<hbm>> -> memref<1024x32xf32, #tpu.memory_space<hbm>>
    tpu.wait_dma2 semaphore(%arg12 : memref<!tpu.dma_semaphore, #tpu.memory_space<semaphore_mem>>) src(%arg6 : memref<1024x32xf32, #tpu.memory_space<vmem>>) dst(%dma_wait3A_326 : memref<1024x32xf32, #tpu.memory_space<hbm>>)
    %dma_start3A_327 = arith.constant 15 : i32
    %dma_start3A_328 = arith.constant 0 : i32
    %dma_start3A_329 = tpu.memref_slice %arg5[%dma_start3A_327, %dma_start3A_328] : memref<25x1024xi32, #tpu.memory_space<vmem>> -> memref<1x1024xi32, #tpu.memory_space<vmem>>
    %dma_start3A_330 = tpu.memref_squeeze %dma_start3A_329 : memref<1x1024xi32, #tpu.memory_space<vmem>> -> memref<1024xi32, #tpu.memory_space<vmem>>
    %dma_start3A_331 = arith.constant 0 : i32
    %dma_start3A_332 = arith.constant 0 : i32
    %dma_start3A_333 = tpu.memref_slice %arg3[%dma_start3A_331, %dma_start3A_332] : memref<1000000x32xf32, #tpu.memory_space<hbm>> -> memref<1000000x32xf32, #tpu.memory_space<hbm>>
    tpu.enqueue_indirect_dma source(%dma_start3A_333 : memref<1000000x32xf32, #tpu.memory_space<hbm>>) target(%arg6 : memref<1024x32xf32, #tpu.memory_space<vmem>>) offsets(%dma_start3A_330 : memref<1024xi32, #tpu.memory_space<vmem>>) semaphore(%arg9 : memref<!tpu.dma_semaphore, #tpu.memory_space<semaphore_mem>>)
    %dma_wait3A_334 = arith.constant 13 : i32
    %dma_wait3A_335 = arith.constant 0 : i32
    %dma_wait3A_336 = tpu.memref_slice %arg5[%dma_wait3A_334, %dma_wait3A_335] : memref<25x1024xi32, #tpu.memory_space<vmem>> -> memref<1x1024xi32, #tpu.memory_space<vmem>>
    %dma_wait3A_337 = tpu.memref_squeeze %dma_wait3A_336 : memref<1x1024xi32, #tpu.memory_space<vmem>> -> memref<1024xi32, #tpu.memory_space<vmem>>
    %dma_wait3A_338 = arith.constant 0 : i32
    %dma_wait3A_339 = arith.constant 0 : i32
    %dma_wait3A_340 = tpu.memref_slice %arg3[%dma_wait3A_338, %dma_wait3A_339] : memref<1000000x32xf32, #tpu.memory_space<hbm>> -> memref<1000000x32xf32, #tpu.memory_space<hbm>>
    tpu.wait_indirect_dma semaphore(%arg10 : memref<!tpu.dma_semaphore, #tpu.memory_space<semaphore_mem>>) src(%dma_wait3A_340 : memref<1000000x32xf32, #tpu.memory_space<hbm>>) dst(%arg7 : memref<1024x32xf32, #tpu.memory_space<vmem>>)
    %add3A_341 = arith.constant 13312 : i32
    %add3A_342 = arith.addi %mul3A_2, %add3A_341 : i32
    %dma_start3A_343 = arith.constant 0 : i32
    %dma_start3A_344 = tpu.memref_slice %arg4[%add3A_342, %dma_start3A_343] : memref<819200x32xf32, #tpu.memory_space<hbm>> -> memref<1024x32xf32, #tpu.memory_space<hbm>>
    %dma_start3A_345 = arith.constant 0 : i32
    %dma_start3A_346 = tpu.memref_slice %arg4[%add3A_342, %dma_start3A_345] : memref<819200x32xf32, #tpu.memory_space<hbm>> -> memref<1024x32xf32, #tpu.memory_space<hbm>>
    tpu.enqueue_dma source(%arg7 : memref<1024x32xf32, #tpu.memory_space<vmem>>) target(%dma_start3A_346 : memref<1024x32xf32, #tpu.memory_space<hbm>>) target_semaphore(%arg13 : memref<!tpu.dma_semaphore, #tpu.memory_space<semaphore_mem>>)
    %dma_wait3A_347 = arith.constant 0 : i32
    %dma_wait3A_348 = tpu.memref_slice %arg4[%add3A_342, %dma_wait3A_347] : memref<819200x32xf32, #tpu.memory_space<hbm>> -> memref<1024x32xf32, #tpu.memory_space<hbm>>
    %dma_wait3A_349 = arith.constant 0 : i32
    %dma_wait3A_350 = tpu.memref_slice %arg4[%add3A_342, %dma_wait3A_349] : memref<819200x32xf32, #tpu.memory_space<hbm>> -> memref<1024x32xf32, #tpu.memory_space<hbm>>
    tpu.wait_dma2 semaphore(%arg13 : memref<!tpu.dma_semaphore, #tpu.memory_space<semaphore_mem>>) src(%arg7 : memref<1024x32xf32, #tpu.memory_space<vmem>>) dst(%dma_wait3A_350 : memref<1024x32xf32, #tpu.memory_space<hbm>>)
    %dma_start3A_351 = arith.constant 16 : i32
    %dma_start3A_352 = arith.constant 0 : i32
    %dma_start3A_353 = tpu.memref_slice %arg5[%dma_start3A_351, %dma_start3A_352] : memref<25x1024xi32, #tpu.memory_space<vmem>> -> memref<1x1024xi32, #tpu.memory_space<vmem>>
    %dma_start3A_354 = tpu.memref_squeeze %dma_start3A_353 : memref<1x1024xi32, #tpu.memory_space<vmem>> -> memref<1024xi32, #tpu.memory_space<vmem>>
    %dma_start3A_355 = arith.constant 0 : i32
    %dma_start3A_356 = arith.constant 0 : i32
    %dma_start3A_357 = tpu.memref_slice %arg3[%dma_start3A_355, %dma_start3A_356] : memref<1000000x32xf32, #tpu.memory_space<hbm>> -> memref<1000000x32xf32, #tpu.memory_space<hbm>>
    tpu.enqueue_indirect_dma source(%dma_start3A_357 : memref<1000000x32xf32, #tpu.memory_space<hbm>>) target(%arg7 : memref<1024x32xf32, #tpu.memory_space<vmem>>) offsets(%dma_start3A_354 : memref<1024xi32, #tpu.memory_space<vmem>>) semaphore(%arg10 : memref<!tpu.dma_semaphore, #tpu.memory_space<semaphore_mem>>)
    %dma_wait3A_358 = arith.constant 14 : i32
    %dma_wait3A_359 = arith.constant 0 : i32
    %dma_wait3A_360 = tpu.memref_slice %arg5[%dma_wait3A_358, %dma_wait3A_359] : memref<25x1024xi32, #tpu.memory_space<vmem>> -> memref<1x1024xi32, #tpu.memory_space<vmem>>
    %dma_wait3A_361 = tpu.memref_squeeze %dma_wait3A_360 : memref<1x1024xi32, #tpu.memory_space<vmem>> -> memref<1024xi32, #tpu.memory_space<vmem>>
    %dma_wait3A_362 = arith.constant 0 : i32
    %dma_wait3A_363 = arith.constant 0 : i32
    %dma_wait3A_364 = tpu.memref_slice %arg3[%dma_wait3A_362, %dma_wait3A_363] : memref<1000000x32xf32, #tpu.memory_space<hbm>> -> memref<1000000x32xf32, #tpu.memory_space<hbm>>
    tpu.wait_indirect_dma semaphore(%arg11 : memref<!tpu.dma_semaphore, #tpu.memory_space<semaphore_mem>>) src(%dma_wait3A_364 : memref<1000000x32xf32, #tpu.memory_space<hbm>>) dst(%arg8 : memref<1024x32xf32, #tpu.memory_space<vmem>>)
    %add3A_365 = arith.constant 14336 : i32
    %add3A_366 = arith.addi %mul3A_2, %add3A_365 : i32
    %dma_start3A_367 = arith.constant 0 : i32
    %dma_start3A_368 = tpu.memref_slice %arg4[%add3A_366, %dma_start3A_367] : memref<819200x32xf32, #tpu.memory_space<hbm>> -> memref<1024x32xf32, #tpu.memory_space<hbm>>
    %dma_start3A_369 = arith.constant 0 : i32
    %dma_start3A_370 = tpu.memref_slice %arg4[%add3A_366, %dma_start3A_369] : memref<819200x32xf32, #tpu.memory_space<hbm>> -> memref<1024x32xf32, #tpu.memory_space<hbm>>
    tpu.enqueue_dma source(%arg8 : memref<1024x32xf32, #tpu.memory_space<vmem>>) target(%dma_start3A_370 : memref<1024x32xf32, #tpu.memory_space<hbm>>) target_semaphore(%arg14 : memref<!tpu.dma_semaphore, #tpu.memory_space<semaphore_mem>>)
    %dma_wait3A_371 = arith.constant 0 : i32
    %dma_wait3A_372 = tpu.memref_slice %arg4[%add3A_366, %dma_wait3A_371] : memref<819200x32xf32, #tpu.memory_space<hbm>> -> memref<1024x32xf32, #tpu.memory_space<hbm>>
    %dma_wait3A_373 = arith.constant 0 : i32
    %dma_wait3A_374 = tpu.memref_slice %arg4[%add3A_366, %dma_wait3A_373] : memref<819200x32xf32, #tpu.memory_space<hbm>> -> memref<1024x32xf32, #tpu.memory_space<hbm>>
    tpu.wait_dma2 semaphore(%arg14 : memref<!tpu.dma_semaphore, #tpu.memory_space<semaphore_mem>>) src(%arg8 : memref<1024x32xf32, #tpu.memory_space<vmem>>) dst(%dma_wait3A_374 : memref<1024x32xf32, #tpu.memory_space<hbm>>)
    %dma_start3A_375 = arith.constant 17 : i32
    %dma_start3A_376 = arith.constant 0 : i32
    %dma_start3A_377 = tpu.memref_slice %arg5[%dma_start3A_375, %dma_start3A_376] : memref<25x1024xi32, #tpu.memory_space<vmem>> -> memref<1x1024xi32, #tpu.memory_space<vmem>>
    %dma_start3A_378 = tpu.memref_squeeze %dma_start3A_377 : memref<1x1024xi32, #tpu.memory_space<vmem>> -> memref<1024xi32, #tpu.memory_space<vmem>>
    %dma_start3A_379 = arith.constant 0 : i32
    %dma_start3A_380 = arith.constant 0 : i32
    %dma_start3A_381 = tpu.memref_slice %arg3[%dma_start3A_379, %dma_start3A_380] : memref<1000000x32xf32, #tpu.memory_space<hbm>> -> memref<1000000x32xf32, #tpu.memory_space<hbm>>
    tpu.enqueue_indirect_dma source(%dma_start3A_381 : memref<1000000x32xf32, #tpu.memory_space<hbm>>) target(%arg8 : memref<1024x32xf32, #tpu.memory_space<vmem>>) offsets(%dma_start3A_378 : memref<1024xi32, #tpu.memory_space<vmem>>) semaphore(%arg11 : memref<!tpu.dma_semaphore, #tpu.memory_space<semaphore_mem>>)
    %dma_wait3A_382 = arith.constant 15 : i32
    %dma_wait3A_383 = arith.constant 0 : i32
    %dma_wait3A_384 = tpu.memref_slice %arg5[%dma_wait3A_382, %dma_wait3A_383] : memref<25x1024xi32, #tpu.memory_space<vmem>> -> memref<1x1024xi32, #tpu.memory_space<vmem>>
    %dma_wait3A_385 = tpu.memref_squeeze %dma_wait3A_384 : memref<1x1024xi32, #tpu.memory_space<vmem>> -> memref<1024xi32, #tpu.memory_space<vmem>>
    %dma_wait3A_386 = arith.constant 0 : i32
    %dma_wait3A_387 = arith.constant 0 : i32
    %dma_wait3A_388 = tpu.memref_slice %arg3[%dma_wait3A_386, %dma_wait3A_387] : memref<1000000x32xf32, #tpu.memory_space<hbm>> -> memref<1000000x32xf32, #tpu.memory_space<hbm>>
    tpu.wait_indirect_dma semaphore(%arg9 : memref<!tpu.dma_semaphore, #tpu.memory_space<semaphore_mem>>) src(%dma_wait3A_388 : memref<1000000x32xf32, #tpu.memory_space<hbm>>) dst(%arg6 : memref<1024x32xf32, #tpu.memory_space<vmem>>)
    %add3A_389 = arith.constant 15360 : i32
    %add3A_390 = arith.addi %mul3A_2, %add3A_389 : i32
    %dma_start3A_391 = arith.constant 0 : i32
    %dma_start3A_392 = tpu.memref_slice %arg4[%add3A_390, %dma_start3A_391] : memref<819200x32xf32, #tpu.memory_space<hbm>> -> memref<1024x32xf32, #tpu.memory_space<hbm>>
    %dma_start3A_393 = arith.constant 0 : i32
    %dma_start3A_394 = tpu.memref_slice %arg4[%add3A_390, %dma_start3A_393] : memref<819200x32xf32, #tpu.memory_space<hbm>> -> memref<1024x32xf32, #tpu.memory_space<hbm>>
    tpu.enqueue_dma source(%arg6 : memref<1024x32xf32, #tpu.memory_space<vmem>>) target(%dma_start3A_394 : memref<1024x32xf32, #tpu.memory_space<hbm>>) target_semaphore(%arg12 : memref<!tpu.dma_semaphore, #tpu.memory_space<semaphore_mem>>)
    %dma_wait3A_395 = arith.constant 0 : i32
    %dma_wait3A_396 = tpu.memref_slice %arg4[%add3A_390, %dma_wait3A_395] : memref<819200x32xf32, #tpu.memory_space<hbm>> -> memref<1024x32xf32, #tpu.memory_space<hbm>>
    %dma_wait3A_397 = arith.constant 0 : i32
    %dma_wait3A_398 = tpu.memref_slice %arg4[%add3A_390, %dma_wait3A_397] : memref<819200x32xf32, #tpu.memory_space<hbm>> -> memref<1024x32xf32, #tpu.memory_space<hbm>>
    tpu.wait_dma2 semaphore(%arg12 : memref<!tpu.dma_semaphore, #tpu.memory_space<semaphore_mem>>) src(%arg6 : memref<1024x32xf32, #tpu.memory_space<vmem>>) dst(%dma_wait3A_398 : memref<1024x32xf32, #tpu.memory_space<hbm>>)
    %dma_start3A_399 = arith.constant 18 : i32
    %dma_start3A_400 = arith.constant 0 : i32
    %dma_start3A_401 = tpu.memref_slice %arg5[%dma_start3A_399, %dma_start3A_400] : memref<25x1024xi32, #tpu.memory_space<vmem>> -> memref<1x1024xi32, #tpu.memory_space<vmem>>
    %dma_start3A_402 = tpu.memref_squeeze %dma_start3A_401 : memref<1x1024xi32, #tpu.memory_space<vmem>> -> memref<1024xi32, #tpu.memory_space<vmem>>
    %dma_start3A_403 = arith.constant 0 : i32
    %dma_start3A_404 = arith.constant 0 : i32
    %dma_start3A_405 = tpu.memref_slice %arg3[%dma_start3A_403, %dma_start3A_404] : memref<1000000x32xf32, #tpu.memory_space<hbm>> -> memref<1000000x32xf32, #tpu.memory_space<hbm>>
    tpu.enqueue_indirect_dma source(%dma_start3A_405 : memref<1000000x32xf32, #tpu.memory_space<hbm>>) target(%arg6 : memref<1024x32xf32, #tpu.memory_space<vmem>>) offsets(%dma_start3A_402 : memref<1024xi32, #tpu.memory_space<vmem>>) semaphore(%arg9 : memref<!tpu.dma_semaphore, #tpu.memory_space<semaphore_mem>>)
    %dma_wait3A_406 = arith.constant 16 : i32
    %dma_wait3A_407 = arith.constant 0 : i32
    %dma_wait3A_408 = tpu.memref_slice %arg5[%dma_wait3A_406, %dma_wait3A_407] : memref<25x1024xi32, #tpu.memory_space<vmem>> -> memref<1x1024xi32, #tpu.memory_space<vmem>>
    %dma_wait3A_409 = tpu.memref_squeeze %dma_wait3A_408 : memref<1x1024xi32, #tpu.memory_space<vmem>> -> memref<1024xi32, #tpu.memory_space<vmem>>
    %dma_wait3A_410 = arith.constant 0 : i32
    %dma_wait3A_411 = arith.constant 0 : i32
    %dma_wait3A_412 = tpu.memref_slice %arg3[%dma_wait3A_410, %dma_wait3A_411] : memref<1000000x32xf32, #tpu.memory_space<hbm>> -> memref<1000000x32xf32, #tpu.memory_space<hbm>>
    tpu.wait_indirect_dma semaphore(%arg10 : memref<!tpu.dma_semaphore, #tpu.memory_space<semaphore_mem>>) src(%dma_wait3A_412 : memref<1000000x32xf32, #tpu.memory_space<hbm>>) dst(%arg7 : memref<1024x32xf32, #tpu.memory_space<vmem>>)
    %add3A_413 = arith.constant 16384 : i32
    %add3A_414 = arith.addi %mul3A_2, %add3A_413 : i32
    %dma_start3A_415 = arith.constant 0 : i32
    %dma_start3A_416 = tpu.memref_slice %arg4[%add3A_414, %dma_start3A_415] : memref<819200x32xf32, #tpu.memory_space<hbm>> -> memref<1024x32xf32, #tpu.memory_space<hbm>>
    %dma_start3A_417 = arith.constant 0 : i32
    %dma_start3A_418 = tpu.memref_slice %arg4[%add3A_414, %dma_start3A_417] : memref<819200x32xf32, #tpu.memory_space<hbm>> -> memref<1024x32xf32, #tpu.memory_space<hbm>>
    tpu.enqueue_dma source(%arg7 : memref<1024x32xf32, #tpu.memory_space<vmem>>) target(%dma_start3A_418 : memref<1024x32xf32, #tpu.memory_space<hbm>>) target_semaphore(%arg13 : memref<!tpu.dma_semaphore, #tpu.memory_space<semaphore_mem>>)
    %dma_wait3A_419 = arith.constant 0 : i32
    %dma_wait3A_420 = tpu.memref_slice %arg4[%add3A_414, %dma_wait3A_419] : memref<819200x32xf32, #tpu.memory_space<hbm>> -> memref<1024x32xf32, #tpu.memory_space<hbm>>
    %dma_wait3A_421 = arith.constant 0 : i32
    %dma_wait3A_422 = tpu.memref_slice %arg4[%add3A_414, %dma_wait3A_421] : memref<819200x32xf32, #tpu.memory_space<hbm>> -> memref<1024x32xf32, #tpu.memory_space<hbm>>
    tpu.wait_dma2 semaphore(%arg13 : memref<!tpu.dma_semaphore, #tpu.memory_space<semaphore_mem>>) src(%arg7 : memref<1024x32xf32, #tpu.memory_space<vmem>>) dst(%dma_wait3A_422 : memref<1024x32xf32, #tpu.memory_space<hbm>>)
    %dma_start3A_423 = arith.constant 19 : i32
    %dma_start3A_424 = arith.constant 0 : i32
    %dma_start3A_425 = tpu.memref_slice %arg5[%dma_start3A_423, %dma_start3A_424] : memref<25x1024xi32, #tpu.memory_space<vmem>> -> memref<1x1024xi32, #tpu.memory_space<vmem>>
    %dma_start3A_426 = tpu.memref_squeeze %dma_start3A_425 : memref<1x1024xi32, #tpu.memory_space<vmem>> -> memref<1024xi32, #tpu.memory_space<vmem>>
    %dma_start3A_427 = arith.constant 0 : i32
    %dma_start3A_428 = arith.constant 0 : i32
    %dma_start3A_429 = tpu.memref_slice %arg3[%dma_start3A_427, %dma_start3A_428] : memref<1000000x32xf32, #tpu.memory_space<hbm>> -> memref<1000000x32xf32, #tpu.memory_space<hbm>>
    tpu.enqueue_indirect_dma source(%dma_start3A_429 : memref<1000000x32xf32, #tpu.memory_space<hbm>>) target(%arg7 : memref<1024x32xf32, #tpu.memory_space<vmem>>) offsets(%dma_start3A_426 : memref<1024xi32, #tpu.memory_space<vmem>>) semaphore(%arg10 : memref<!tpu.dma_semaphore, #tpu.memory_space<semaphore_mem>>)
    %dma_wait3A_430 = arith.constant 17 : i32
    %dma_wait3A_431 = arith.constant 0 : i32
    %dma_wait3A_432 = tpu.memref_slice %arg5[%dma_wait3A_430, %dma_wait3A_431] : memref<25x1024xi32, #tpu.memory_space<vmem>> -> memref<1x1024xi32, #tpu.memory_space<vmem>>
    %dma_wait3A_433 = tpu.memref_squeeze %dma_wait3A_432 : memref<1x1024xi32, #tpu.memory_space<vmem>> -> memref<1024xi32, #tpu.memory_space<vmem>>
    %dma_wait3A_434 = arith.constant 0 : i32
    %dma_wait3A_435 = arith.constant 0 : i32
    %dma_wait3A_436 = tpu.memref_slice %arg3[%dma_wait3A_434, %dma_wait3A_435] : memref<1000000x32xf32, #tpu.memory_space<hbm>> -> memref<1000000x32xf32, #tpu.memory_space<hbm>>
    tpu.wait_indirect_dma semaphore(%arg11 : memref<!tpu.dma_semaphore, #tpu.memory_space<semaphore_mem>>) src(%dma_wait3A_436 : memref<1000000x32xf32, #tpu.memory_space<hbm>>) dst(%arg8 : memref<1024x32xf32, #tpu.memory_space<vmem>>)
    %add3A_437 = arith.constant 17408 : i32
    %add3A_438 = arith.addi %mul3A_2, %add3A_437 : i32
    %dma_start3A_439 = arith.constant 0 : i32
    %dma_start3A_440 = tpu.memref_slice %arg4[%add3A_438, %dma_start3A_439] : memref<819200x32xf32, #tpu.memory_space<hbm>> -> memref<1024x32xf32, #tpu.memory_space<hbm>>
    %dma_start3A_441 = arith.constant 0 : i32
    %dma_start3A_442 = tpu.memref_slice %arg4[%add3A_438, %dma_start3A_441] : memref<819200x32xf32, #tpu.memory_space<hbm>> -> memref<1024x32xf32, #tpu.memory_space<hbm>>
    tpu.enqueue_dma source(%arg8 : memref<1024x32xf32, #tpu.memory_space<vmem>>) target(%dma_start3A_442 : memref<1024x32xf32, #tpu.memory_space<hbm>>) target_semaphore(%arg14 : memref<!tpu.dma_semaphore, #tpu.memory_space<semaphore_mem>>)
    %dma_wait3A_443 = arith.constant 0 : i32
    %dma_wait3A_444 = tpu.memref_slice %arg4[%add3A_438, %dma_wait3A_443] : memref<819200x32xf32, #tpu.memory_space<hbm>> -> memref<1024x32xf32, #tpu.memory_space<hbm>>
    %dma_wait3A_445 = arith.constant 0 : i32
    %dma_wait3A_446 = tpu.memref_slice %arg4[%add3A_438, %dma_wait3A_445] : memref<819200x32xf32, #tpu.memory_space<hbm>> -> memref<1024x32xf32, #tpu.memory_space<hbm>>
    tpu.wait_dma2 semaphore(%arg14 : memref<!tpu.dma_semaphore, #tpu.memory_space<semaphore_mem>>) src(%arg8 : memref<1024x32xf32, #tpu.memory_space<vmem>>) dst(%dma_wait3A_446 : memref<1024x32xf32, #tpu.memory_space<hbm>>)
    %dma_start3A_447 = arith.constant 20 : i32
    %dma_start3A_448 = arith.constant 0 : i32
    %dma_start3A_449 = tpu.memref_slice %arg5[%dma_start3A_447, %dma_start3A_448] : memref<25x1024xi32, #tpu.memory_space<vmem>> -> memref<1x1024xi32, #tpu.memory_space<vmem>>
    %dma_start3A_450 = tpu.memref_squeeze %dma_start3A_449 : memref<1x1024xi32, #tpu.memory_space<vmem>> -> memref<1024xi32, #tpu.memory_space<vmem>>
    %dma_start3A_451 = arith.constant 0 : i32
    %dma_start3A_452 = arith.constant 0 : i32
    %dma_start3A_453 = tpu.memref_slice %arg3[%dma_start3A_451, %dma_start3A_452] : memref<1000000x32xf32, #tpu.memory_space<hbm>> -> memref<1000000x32xf32, #tpu.memory_space<hbm>>
    tpu.enqueue_indirect_dma source(%dma_start3A_453 : memref<1000000x32xf32, #tpu.memory_space<hbm>>) target(%arg8 : memref<1024x32xf32, #tpu.memory_space<vmem>>) offsets(%dma_start3A_450 : memref<1024xi32, #tpu.memory_space<vmem>>) semaphore(%arg11 : memref<!tpu.dma_semaphore, #tpu.memory_space<semaphore_mem>>)
    %dma_wait3A_454 = arith.constant 18 : i32
    %dma_wait3A_455 = arith.constant 0 : i32
    %dma_wait3A_456 = tpu.memref_slice %arg5[%dma_wait3A_454, %dma_wait3A_455] : memref<25x1024xi32, #tpu.memory_space<vmem>> -> memref<1x1024xi32, #tpu.memory_space<vmem>>
    %dma_wait3A_457 = tpu.memref_squeeze %dma_wait3A_456 : memref<1x1024xi32, #tpu.memory_space<vmem>> -> memref<1024xi32, #tpu.memory_space<vmem>>
    %dma_wait3A_458 = arith.constant 0 : i32
    %dma_wait3A_459 = arith.constant 0 : i32
    %dma_wait3A_460 = tpu.memref_slice %arg3[%dma_wait3A_458, %dma_wait3A_459] : memref<1000000x32xf32, #tpu.memory_space<hbm>> -> memref<1000000x32xf32, #tpu.memory_space<hbm>>
    tpu.wait_indirect_dma semaphore(%arg9 : memref<!tpu.dma_semaphore, #tpu.memory_space<semaphore_mem>>) src(%dma_wait3A_460 : memref<1000000x32xf32, #tpu.memory_space<hbm>>) dst(%arg6 : memref<1024x32xf32, #tpu.memory_space<vmem>>)
    %add3A_461 = arith.constant 18432 : i32
    %add3A_462 = arith.addi %mul3A_2, %add3A_461 : i32
    %dma_start3A_463 = arith.constant 0 : i32
    %dma_start3A_464 = tpu.memref_slice %arg4[%add3A_462, %dma_start3A_463] : memref<819200x32xf32, #tpu.memory_space<hbm>> -> memref<1024x32xf32, #tpu.memory_space<hbm>>
    %dma_start3A_465 = arith.constant 0 : i32
    %dma_start3A_466 = tpu.memref_slice %arg4[%add3A_462, %dma_start3A_465] : memref<819200x32xf32, #tpu.memory_space<hbm>> -> memref<1024x32xf32, #tpu.memory_space<hbm>>
    tpu.enqueue_dma source(%arg6 : memref<1024x32xf32, #tpu.memory_space<vmem>>) target(%dma_start3A_466 : memref<1024x32xf32, #tpu.memory_space<hbm>>) target_semaphore(%arg12 : memref<!tpu.dma_semaphore, #tpu.memory_space<semaphore_mem>>)
    %dma_wait3A_467 = arith.constant 0 : i32
    %dma_wait3A_468 = tpu.memref_slice %arg4[%add3A_462, %dma_wait3A_467] : memref<819200x32xf32, #tpu.memory_space<hbm>> -> memref<1024x32xf32, #tpu.memory_space<hbm>>
    %dma_wait3A_469 = arith.constant 0 : i32
    %dma_wait3A_470 = tpu.memref_slice %arg4[%add3A_462, %dma_wait3A_469] : memref<819200x32xf32, #tpu.memory_space<hbm>> -> memref<1024x32xf32, #tpu.memory_space<hbm>>
    tpu.wait_dma2 semaphore(%arg12 : memref<!tpu.dma_semaphore, #tpu.memory_space<semaphore_mem>>) src(%arg6 : memref<1024x32xf32, #tpu.memory_space<vmem>>) dst(%dma_wait3A_470 : memref<1024x32xf32, #tpu.memory_space<hbm>>)
    %dma_start3A_471 = arith.constant 21 : i32
    %dma_start3A_472 = arith.constant 0 : i32
    %dma_start3A_473 = tpu.memref_slice %arg5[%dma_start3A_471, %dma_start3A_472] : memref<25x1024xi32, #tpu.memory_space<vmem>> -> memref<1x1024xi32, #tpu.memory_space<vmem>>
    %dma_start3A_474 = tpu.memref_squeeze %dma_start3A_473 : memref<1x1024xi32, #tpu.memory_space<vmem>> -> memref<1024xi32, #tpu.memory_space<vmem>>
    %dma_start3A_475 = arith.constant 0 : i32
    %dma_start3A_476 = arith.constant 0 : i32
    %dma_start3A_477 = tpu.memref_slice %arg3[%dma_start3A_475, %dma_start3A_476] : memref<1000000x32xf32, #tpu.memory_space<hbm>> -> memref<1000000x32xf32, #tpu.memory_space<hbm>>
    tpu.enqueue_indirect_dma source(%dma_start3A_477 : memref<1000000x32xf32, #tpu.memory_space<hbm>>) target(%arg6 : memref<1024x32xf32, #tpu.memory_space<vmem>>) offsets(%dma_start3A_474 : memref<1024xi32, #tpu.memory_space<vmem>>) semaphore(%arg9 : memref<!tpu.dma_semaphore, #tpu.memory_space<semaphore_mem>>)
    %dma_wait3A_478 = arith.constant 19 : i32
    %dma_wait3A_479 = arith.constant 0 : i32
    %dma_wait3A_480 = tpu.memref_slice %arg5[%dma_wait3A_478, %dma_wait3A_479] : memref<25x1024xi32, #tpu.memory_space<vmem>> -> memref<1x1024xi32, #tpu.memory_space<vmem>>
    %dma_wait3A_481 = tpu.memref_squeeze %dma_wait3A_480 : memref<1x1024xi32, #tpu.memory_space<vmem>> -> memref<1024xi32, #tpu.memory_space<vmem>>
    %dma_wait3A_482 = arith.constant 0 : i32
    %dma_wait3A_483 = arith.constant 0 : i32
    %dma_wait3A_484 = tpu.memref_slice %arg3[%dma_wait3A_482, %dma_wait3A_483] : memref<1000000x32xf32, #tpu.memory_space<hbm>> -> memref<1000000x32xf32, #tpu.memory_space<hbm>>
    tpu.wait_indirect_dma semaphore(%arg10 : memref<!tpu.dma_semaphore, #tpu.memory_space<semaphore_mem>>) src(%dma_wait3A_484 : memref<1000000x32xf32, #tpu.memory_space<hbm>>) dst(%arg7 : memref<1024x32xf32, #tpu.memory_space<vmem>>)
    %add3A_485 = arith.constant 19456 : i32
    %add3A_486 = arith.addi %mul3A_2, %add3A_485 : i32
    %dma_start3A_487 = arith.constant 0 : i32
    %dma_start3A_488 = tpu.memref_slice %arg4[%add3A_486, %dma_start3A_487] : memref<819200x32xf32, #tpu.memory_space<hbm>> -> memref<1024x32xf32, #tpu.memory_space<hbm>>
    %dma_start3A_489 = arith.constant 0 : i32
    %dma_start3A_490 = tpu.memref_slice %arg4[%add3A_486, %dma_start3A_489] : memref<819200x32xf32, #tpu.memory_space<hbm>> -> memref<1024x32xf32, #tpu.memory_space<hbm>>
    tpu.enqueue_dma source(%arg7 : memref<1024x32xf32, #tpu.memory_space<vmem>>) target(%dma_start3A_490 : memref<1024x32xf32, #tpu.memory_space<hbm>>) target_semaphore(%arg13 : memref<!tpu.dma_semaphore, #tpu.memory_space<semaphore_mem>>)
    %dma_wait3A_491 = arith.constant 0 : i32
    %dma_wait3A_492 = tpu.memref_slice %arg4[%add3A_486, %dma_wait3A_491] : memref<819200x32xf32, #tpu.memory_space<hbm>> -> memref<1024x32xf32, #tpu.memory_space<hbm>>
    %dma_wait3A_493 = arith.constant 0 : i32
    %dma_wait3A_494 = tpu.memref_slice %arg4[%add3A_486, %dma_wait3A_493] : memref<819200x32xf32, #tpu.memory_space<hbm>> -> memref<1024x32xf32, #tpu.memory_space<hbm>>
    tpu.wait_dma2 semaphore(%arg13 : memref<!tpu.dma_semaphore, #tpu.memory_space<semaphore_mem>>) src(%arg7 : memref<1024x32xf32, #tpu.memory_space<vmem>>) dst(%dma_wait3A_494 : memref<1024x32xf32, #tpu.memory_space<hbm>>)
    %dma_start3A_495 = arith.constant 22 : i32
    %dma_start3A_496 = arith.constant 0 : i32
    %dma_start3A_497 = tpu.memref_slice %arg5[%dma_start3A_495, %dma_start3A_496] : memref<25x1024xi32, #tpu.memory_space<vmem>> -> memref<1x1024xi32, #tpu.memory_space<vmem>>
    %dma_start3A_498 = tpu.memref_squeeze %dma_start3A_497 : memref<1x1024xi32, #tpu.memory_space<vmem>> -> memref<1024xi32, #tpu.memory_space<vmem>>
    %dma_start3A_499 = arith.constant 0 : i32
    %dma_start3A_500 = arith.constant 0 : i32
    %dma_start3A_501 = tpu.memref_slice %arg3[%dma_start3A_499, %dma_start3A_500] : memref<1000000x32xf32, #tpu.memory_space<hbm>> -> memref<1000000x32xf32, #tpu.memory_space<hbm>>
    tpu.enqueue_indirect_dma source(%dma_start3A_501 : memref<1000000x32xf32, #tpu.memory_space<hbm>>) target(%arg7 : memref<1024x32xf32, #tpu.memory_space<vmem>>) offsets(%dma_start3A_498 : memref<1024xi32, #tpu.memory_space<vmem>>) semaphore(%arg10 : memref<!tpu.dma_semaphore, #tpu.memory_space<semaphore_mem>>)
    %dma_wait3A_502 = arith.constant 20 : i32
    %dma_wait3A_503 = arith.constant 0 : i32
    %dma_wait3A_504 = tpu.memref_slice %arg5[%dma_wait3A_502, %dma_wait3A_503] : memref<25x1024xi32, #tpu.memory_space<vmem>> -> memref<1x1024xi32, #tpu.memory_space<vmem>>
    %dma_wait3A_505 = tpu.memref_squeeze %dma_wait3A_504 : memref<1x1024xi32, #tpu.memory_space<vmem>> -> memref<1024xi32, #tpu.memory_space<vmem>>
    %dma_wait3A_506 = arith.constant 0 : i32
    %dma_wait3A_507 = arith.constant 0 : i32
    %dma_wait3A_508 = tpu.memref_slice %arg3[%dma_wait3A_506, %dma_wait3A_507] : memref<1000000x32xf32, #tpu.memory_space<hbm>> -> memref<1000000x32xf32, #tpu.memory_space<hbm>>
    tpu.wait_indirect_dma semaphore(%arg11 : memref<!tpu.dma_semaphore, #tpu.memory_space<semaphore_mem>>) src(%dma_wait3A_508 : memref<1000000x32xf32, #tpu.memory_space<hbm>>) dst(%arg8 : memref<1024x32xf32, #tpu.memory_space<vmem>>)
    %add3A_509 = arith.constant 20480 : i32
    %add3A_510 = arith.addi %mul3A_2, %add3A_509 : i32
    %dma_start3A_511 = arith.constant 0 : i32
    %dma_start3A_512 = tpu.memref_slice %arg4[%add3A_510, %dma_start3A_511] : memref<819200x32xf32, #tpu.memory_space<hbm>> -> memref<1024x32xf32, #tpu.memory_space<hbm>>
    %dma_start3A_513 = arith.constant 0 : i32
    %dma_start3A_514 = tpu.memref_slice %arg4[%add3A_510, %dma_start3A_513] : memref<819200x32xf32, #tpu.memory_space<hbm>> -> memref<1024x32xf32, #tpu.memory_space<hbm>>
    tpu.enqueue_dma source(%arg8 : memref<1024x32xf32, #tpu.memory_space<vmem>>) target(%dma_start3A_514 : memref<1024x32xf32, #tpu.memory_space<hbm>>) target_semaphore(%arg14 : memref<!tpu.dma_semaphore, #tpu.memory_space<semaphore_mem>>)
    %dma_wait3A_515 = arith.constant 0 : i32
    %dma_wait3A_516 = tpu.memref_slice %arg4[%add3A_510, %dma_wait3A_515] : memref<819200x32xf32, #tpu.memory_space<hbm>> -> memref<1024x32xf32, #tpu.memory_space<hbm>>
    %dma_wait3A_517 = arith.constant 0 : i32
    %dma_wait3A_518 = tpu.memref_slice %arg4[%add3A_510, %dma_wait3A_517] : memref<819200x32xf32, #tpu.memory_space<hbm>> -> memref<1024x32xf32, #tpu.memory_space<hbm>>
    tpu.wait_dma2 semaphore(%arg14 : memref<!tpu.dma_semaphore, #tpu.memory_space<semaphore_mem>>) src(%arg8 : memref<1024x32xf32, #tpu.memory_space<vmem>>) dst(%dma_wait3A_518 : memref<1024x32xf32, #tpu.memory_space<hbm>>)
    %dma_start3A_519 = arith.constant 23 : i32
    %dma_start3A_520 = arith.constant 0 : i32
    %dma_start3A_521 = tpu.memref_slice %arg5[%dma_start3A_519, %dma_start3A_520] : memref<25x1024xi32, #tpu.memory_space<vmem>> -> memref<1x1024xi32, #tpu.memory_space<vmem>>
    %dma_start3A_522 = tpu.memref_squeeze %dma_start3A_521 : memref<1x1024xi32, #tpu.memory_space<vmem>> -> memref<1024xi32, #tpu.memory_space<vmem>>
    %dma_start3A_523 = arith.constant 0 : i32
    %dma_start3A_524 = arith.constant 0 : i32
    %dma_start3A_525 = tpu.memref_slice %arg3[%dma_start3A_523, %dma_start3A_524] : memref<1000000x32xf32, #tpu.memory_space<hbm>> -> memref<1000000x32xf32, #tpu.memory_space<hbm>>
    tpu.enqueue_indirect_dma source(%dma_start3A_525 : memref<1000000x32xf32, #tpu.memory_space<hbm>>) target(%arg8 : memref<1024x32xf32, #tpu.memory_space<vmem>>) offsets(%dma_start3A_522 : memref<1024xi32, #tpu.memory_space<vmem>>) semaphore(%arg11 : memref<!tpu.dma_semaphore, #tpu.memory_space<semaphore_mem>>)
    %dma_wait3A_526 = arith.constant 21 : i32
    %dma_wait3A_527 = arith.constant 0 : i32
    %dma_wait3A_528 = tpu.memref_slice %arg5[%dma_wait3A_526, %dma_wait3A_527] : memref<25x1024xi32, #tpu.memory_space<vmem>> -> memref<1x1024xi32, #tpu.memory_space<vmem>>
    %dma_wait3A_529 = tpu.memref_squeeze %dma_wait3A_528 : memref<1x1024xi32, #tpu.memory_space<vmem>> -> memref<1024xi32, #tpu.memory_space<vmem>>
    %dma_wait3A_530 = arith.constant 0 : i32
    %dma_wait3A_531 = arith.constant 0 : i32
    %dma_wait3A_532 = tpu.memref_slice %arg3[%dma_wait3A_530, %dma_wait3A_531] : memref<1000000x32xf32, #tpu.memory_space<hbm>> -> memref<1000000x32xf32, #tpu.memory_space<hbm>>
    tpu.wait_indirect_dma semaphore(%arg9 : memref<!tpu.dma_semaphore, #tpu.memory_space<semaphore_mem>>) src(%dma_wait3A_532 : memref<1000000x32xf32, #tpu.memory_space<hbm>>) dst(%arg6 : memref<1024x32xf32, #tpu.memory_space<vmem>>)
    %add3A_533 = arith.constant 21504 : i32
    %add3A_534 = arith.addi %mul3A_2, %add3A_533 : i32
    %dma_start3A_535 = arith.constant 0 : i32
    %dma_start3A_536 = tpu.memref_slice %arg4[%add3A_534, %dma_start3A_535] : memref<819200x32xf32, #tpu.memory_space<hbm>> -> memref<1024x32xf32, #tpu.memory_space<hbm>>
    %dma_start3A_537 = arith.constant 0 : i32
    %dma_start3A_538 = tpu.memref_slice %arg4[%add3A_534, %dma_start3A_537] : memref<819200x32xf32, #tpu.memory_space<hbm>> -> memref<1024x32xf32, #tpu.memory_space<hbm>>
    tpu.enqueue_dma source(%arg6 : memref<1024x32xf32, #tpu.memory_space<vmem>>) target(%dma_start3A_538 : memref<1024x32xf32, #tpu.memory_space<hbm>>) target_semaphore(%arg12 : memref<!tpu.dma_semaphore, #tpu.memory_space<semaphore_mem>>)
    %dma_wait3A_539 = arith.constant 0 : i32
    %dma_wait3A_540 = tpu.memref_slice %arg4[%add3A_534, %dma_wait3A_539] : memref<819200x32xf32, #tpu.memory_space<hbm>> -> memref<1024x32xf32, #tpu.memory_space<hbm>>
    %dma_wait3A_541 = arith.constant 0 : i32
    %dma_wait3A_542 = tpu.memref_slice %arg4[%add3A_534, %dma_wait3A_541] : memref<819200x32xf32, #tpu.memory_space<hbm>> -> memref<1024x32xf32, #tpu.memory_space<hbm>>
    tpu.wait_dma2 semaphore(%arg12 : memref<!tpu.dma_semaphore, #tpu.memory_space<semaphore_mem>>) src(%arg6 : memref<1024x32xf32, #tpu.memory_space<vmem>>) dst(%dma_wait3A_542 : memref<1024x32xf32, #tpu.memory_space<hbm>>)
    %dma_start3A_543 = arith.constant 24 : i32
    %dma_start3A_544 = arith.constant 0 : i32
    %dma_start3A_545 = tpu.memref_slice %arg5[%dma_start3A_543, %dma_start3A_544] : memref<25x1024xi32, #tpu.memory_space<vmem>> -> memref<1x1024xi32, #tpu.memory_space<vmem>>
    %dma_start3A_546 = tpu.memref_squeeze %dma_start3A_545 : memref<1x1024xi32, #tpu.memory_space<vmem>> -> memref<1024xi32, #tpu.memory_space<vmem>>
    %dma_start3A_547 = arith.constant 0 : i32
    %dma_start3A_548 = arith.constant 0 : i32
    %dma_start3A_549 = tpu.memref_slice %arg3[%dma_start3A_547, %dma_start3A_548] : memref<1000000x32xf32, #tpu.memory_space<hbm>> -> memref<1000000x32xf32, #tpu.memory_space<hbm>>
    tpu.enqueue_indirect_dma source(%dma_start3A_549 : memref<1000000x32xf32, #tpu.memory_space<hbm>>) target(%arg6 : memref<1024x32xf32, #tpu.memory_space<vmem>>) offsets(%dma_start3A_546 : memref<1024xi32, #tpu.memory_space<vmem>>) semaphore(%arg9 : memref<!tpu.dma_semaphore, #tpu.memory_space<semaphore_mem>>)
    %dma_wait3A_550 = arith.constant 22 : i32
    %dma_wait3A_551 = arith.constant 0 : i32
    %dma_wait3A_552 = tpu.memref_slice %arg5[%dma_wait3A_550, %dma_wait3A_551] : memref<25x1024xi32, #tpu.memory_space<vmem>> -> memref<1x1024xi32, #tpu.memory_space<vmem>>
    %dma_wait3A_553 = tpu.memref_squeeze %dma_wait3A_552 : memref<1x1024xi32, #tpu.memory_space<vmem>> -> memref<1024xi32, #tpu.memory_space<vmem>>
    %dma_wait3A_554 = arith.constant 0 : i32
    %dma_wait3A_555 = arith.constant 0 : i32
    %dma_wait3A_556 = tpu.memref_slice %arg3[%dma_wait3A_554, %dma_wait3A_555] : memref<1000000x32xf32, #tpu.memory_space<hbm>> -> memref<1000000x32xf32, #tpu.memory_space<hbm>>
    tpu.wait_indirect_dma semaphore(%arg10 : memref<!tpu.dma_semaphore, #tpu.memory_space<semaphore_mem>>) src(%dma_wait3A_556 : memref<1000000x32xf32, #tpu.memory_space<hbm>>) dst(%arg7 : memref<1024x32xf32, #tpu.memory_space<vmem>>)
    %add3A_557 = arith.constant 22528 : i32
    %add3A_558 = arith.addi %mul3A_2, %add3A_557 : i32
    %dma_start3A_559 = arith.constant 0 : i32
    %dma_start3A_560 = tpu.memref_slice %arg4[%add3A_558, %dma_start3A_559] : memref<819200x32xf32, #tpu.memory_space<hbm>> -> memref<1024x32xf32, #tpu.memory_space<hbm>>
    %dma_start3A_561 = arith.constant 0 : i32
    %dma_start3A_562 = tpu.memref_slice %arg4[%add3A_558, %dma_start3A_561] : memref<819200x32xf32, #tpu.memory_space<hbm>> -> memref<1024x32xf32, #tpu.memory_space<hbm>>
    tpu.enqueue_dma source(%arg7 : memref<1024x32xf32, #tpu.memory_space<vmem>>) target(%dma_start3A_562 : memref<1024x32xf32, #tpu.memory_space<hbm>>) target_semaphore(%arg13 : memref<!tpu.dma_semaphore, #tpu.memory_space<semaphore_mem>>)
    %dma_wait3A_563 = arith.constant 23 : i32
    %dma_wait3A_564 = arith.constant 0 : i32
    %dma_wait3A_565 = tpu.memref_slice %arg5[%dma_wait3A_563, %dma_wait3A_564] : memref<25x1024xi32, #tpu.memory_space<vmem>> -> memref<1x1024xi32, #tpu.memory_space<vmem>>
    %dma_wait3A_566 = tpu.memref_squeeze %dma_wait3A_565 : memref<1x1024xi32, #tpu.memory_space<vmem>> -> memref<1024xi32, #tpu.memory_space<vmem>>
    %dma_wait3A_567 = arith.constant 0 : i32
    %dma_wait3A_568 = arith.constant 0 : i32
    %dma_wait3A_569 = tpu.memref_slice %arg3[%dma_wait3A_567, %dma_wait3A_568] : memref<1000000x32xf32, #tpu.memory_space<hbm>> -> memref<1000000x32xf32, #tpu.memory_space<hbm>>
    tpu.wait_indirect_dma semaphore(%arg11 : memref<!tpu.dma_semaphore, #tpu.memory_space<semaphore_mem>>) src(%dma_wait3A_569 : memref<1000000x32xf32, #tpu.memory_space<hbm>>) dst(%arg8 : memref<1024x32xf32, #tpu.memory_space<vmem>>)
    %add3A_570 = arith.constant 23552 : i32
    %add3A_571 = arith.addi %mul3A_2, %add3A_570 : i32
    %dma_start3A_572 = arith.constant 0 : i32
    %dma_start3A_573 = tpu.memref_slice %arg4[%add3A_571, %dma_start3A_572] : memref<819200x32xf32, #tpu.memory_space<hbm>> -> memref<1024x32xf32, #tpu.memory_space<hbm>>
    %dma_start3A_574 = arith.constant 0 : i32
    %dma_start3A_575 = tpu.memref_slice %arg4[%add3A_571, %dma_start3A_574] : memref<819200x32xf32, #tpu.memory_space<hbm>> -> memref<1024x32xf32, #tpu.memory_space<hbm>>
    tpu.enqueue_dma source(%arg8 : memref<1024x32xf32, #tpu.memory_space<vmem>>) target(%dma_start3A_575 : memref<1024x32xf32, #tpu.memory_space<hbm>>) target_semaphore(%arg14 : memref<!tpu.dma_semaphore, #tpu.memory_space<semaphore_mem>>)
    %dma_wait3A_576 = arith.constant 24 : i32
    %dma_wait3A_577 = arith.constant 0 : i32
    %dma_wait3A_578 = tpu.memref_slice %arg5[%dma_wait3A_576, %dma_wait3A_577] : memref<25x1024xi32, #tpu.memory_space<vmem>> -> memref<1x1024xi32, #tpu.memory_space<vmem>>
    %dma_wait3A_579 = tpu.memref_squeeze %dma_wait3A_578 : memref<1x1024xi32, #tpu.memory_space<vmem>> -> memref<1024xi32, #tpu.memory_space<vmem>>
    %dma_wait3A_580 = arith.constant 0 : i32
    %dma_wait3A_581 = arith.constant 0 : i32
    %dma_wait3A_582 = tpu.memref_slice %arg3[%dma_wait3A_580, %dma_wait3A_581] : memref<1000000x32xf32, #tpu.memory_space<hbm>> -> memref<1000000x32xf32, #tpu.memory_space<hbm>>
    tpu.wait_indirect_dma semaphore(%arg9 : memref<!tpu.dma_semaphore, #tpu.memory_space<semaphore_mem>>) src(%dma_wait3A_582 : memref<1000000x32xf32, #tpu.memory_space<hbm>>) dst(%arg6 : memref<1024x32xf32, #tpu.memory_space<vmem>>)
    %add3A_583 = arith.constant 24576 : i32
    %add3A_584 = arith.addi %mul3A_2, %add3A_583 : i32
    %dma_start3A_585 = arith.constant 0 : i32
    %dma_start3A_586 = tpu.memref_slice %arg4[%add3A_584, %dma_start3A_585] : memref<819200x32xf32, #tpu.memory_space<hbm>> -> memref<1024x32xf32, #tpu.memory_space<hbm>>
    %dma_start3A_587 = arith.constant 0 : i32
    %dma_start3A_588 = tpu.memref_slice %arg4[%add3A_584, %dma_start3A_587] : memref<819200x32xf32, #tpu.memory_space<hbm>> -> memref<1024x32xf32, #tpu.memory_space<hbm>>
    tpu.enqueue_dma source(%arg6 : memref<1024x32xf32, #tpu.memory_space<vmem>>) target(%dma_start3A_588 : memref<1024x32xf32, #tpu.memory_space<hbm>>) target_semaphore(%arg12 : memref<!tpu.dma_semaphore, #tpu.memory_space<semaphore_mem>>)
    %dma_wait3A_589 = arith.constant 0 : i32
    %dma_wait3A_590 = tpu.memref_slice %arg4[%add3A_584, %dma_wait3A_589] : memref<819200x32xf32, #tpu.memory_space<hbm>> -> memref<1024x32xf32, #tpu.memory_space<hbm>>
    %dma_wait3A_591 = arith.constant 0 : i32
    %dma_wait3A_592 = tpu.memref_slice %arg4[%add3A_584, %dma_wait3A_591] : memref<819200x32xf32, #tpu.memory_space<hbm>> -> memref<1024x32xf32, #tpu.memory_space<hbm>>
    tpu.wait_dma2 semaphore(%arg12 : memref<!tpu.dma_semaphore, #tpu.memory_space<semaphore_mem>>) src(%arg6 : memref<1024x32xf32, #tpu.memory_space<vmem>>) dst(%dma_wait3A_592 : memref<1024x32xf32, #tpu.memory_space<hbm>>)
    %dma_wait3A_593 = arith.constant 0 : i32
    %dma_wait3A_594 = tpu.memref_slice %arg4[%add3A_558, %dma_wait3A_593] : memref<819200x32xf32, #tpu.memory_space<hbm>> -> memref<1024x32xf32, #tpu.memory_space<hbm>>
    %dma_wait3A_595 = arith.constant 0 : i32
    %dma_wait3A_596 = tpu.memref_slice %arg4[%add3A_558, %dma_wait3A_595] : memref<819200x32xf32, #tpu.memory_space<hbm>> -> memref<1024x32xf32, #tpu.memory_space<hbm>>
    tpu.wait_dma2 semaphore(%arg13 : memref<!tpu.dma_semaphore, #tpu.memory_space<semaphore_mem>>) src(%arg7 : memref<1024x32xf32, #tpu.memory_space<vmem>>) dst(%dma_wait3A_596 : memref<1024x32xf32, #tpu.memory_space<hbm>>)
    %dma_wait3A_597 = arith.constant 0 : i32
    %dma_wait3A_598 = tpu.memref_slice %arg4[%add3A_571, %dma_wait3A_597] : memref<819200x32xf32, #tpu.memory_space<hbm>> -> memref<1024x32xf32, #tpu.memory_space<hbm>>
    %dma_wait3A_599 = arith.constant 0 : i32
    %dma_wait3A_600 = tpu.memref_slice %arg4[%add3A_571, %dma_wait3A_599] : memref<819200x32xf32, #tpu.memory_space<hbm>> -> memref<1024x32xf32, #tpu.memory_space<hbm>>
    tpu.wait_dma2 semaphore(%arg14 : memref<!tpu.dma_semaphore, #tpu.memory_space<semaphore_mem>>) src(%arg8 : memref<1024x32xf32, #tpu.memory_space<vmem>>) dst(%dma_wait3A_600 : memref<1024x32xf32, #tpu.memory_space<hbm>>)
    return
  }
}

</mosaic_0001>

<sc_bundles>
// kernel: kernel.3.cloned.1.call-start
scs
__scs_entry_jumppad:
0x0: {  	(pc) =	sbr.rel $0x88, $3  }
0x1: {  	(tag) =	ssettag $0x0;
	lr =	simm.s32 $0x1  }
0x2: {  	[smem:$0x3F9F] =	sst lr;
	_ =	strace $0xD0000000  }
0x3: {  	_ = 	snop  }
0x4: {  	_ = 	snop  }
0x5: {  	_ = 	snop  }
0x6: {  	_ = 	snop  }
0x7: {  	_ = 	snop  }
__scs_overlays_trampoline_lowered:
0x8: {  	[smem:$0x3FAE] =	sst s0  }
0x9: {  	[smem:$0x3FAF] =	sst s1  }
0xa: {  	[smem:$0x3FB0] =	sst s2  }
0xb: {  	[smem:$0x3FB1] =	sst s3  }
0xc: {  	[smem:$0x3FB2] =	sst s4  }
0xd: {  	[smem:$0x3FB3] =	sst s5  }
0xe: {  	[smem:$0x3FB4] =	sst s6  }
0xf: {  	[smem:$0x3FB5] =	sst s7  }
0x10: {  	[smem:$0x3FB6] =	sst s8  }
0x11: {  	[smem:$0x3FB7] =	sst s9;
	s0 =	simm.s32 @!p0 $0x0  }
0x12: {  	s1 =	sld [smem:$0x3F9D];
	s0 =	simm.s32 @p0 $0x1  }
0x13: {  	[smem:$0x3FB8] =	sst s0;
	s0 =	simm.s32 @!p1 $0x0  }
0x14: {  	s2 =	sld [smem:$0x3F9C];
	s0 =	simm.s32 @p1 $0x1  }
0x15: {  	[smem:$0x3FB9] =	sst s0;
	s0 =	simm.s32 @!p2 $0x0  }
0x16: {  	s3 =	sld [smem:$0x3FDB];
	s0 =	simm.s32 @p2 $0x1  }
0x17: {  	s4 =	simm.s32 $0x1BF5;
	[smem:$0x3FBB] =	sst s0  }
0x18: {  	s0 =	sld [smem:$0x3F9E];
	_ =	swait.ge [sflag:s4], $0x0  }
0x19: {  	s7 =	sld [smem:$0x3F9F]  }
0x1a: {  	s8 =	sadd.s32 $0xFFFFE003, lr  }
0x1b: {  	s9 =	sadd.s32 $0xFFFFFEF7, lr;
	s5 =	simm.s32 $0xFFFFFFFF;
	p2 =	slt.u32 s8, $0xFFFFF086  }
0x1c: {  	p1 =	slt.u32 s9, $0xF7A;
	s5 =	simm.s32 @!p2 $0x0  }
0x1d: {  	s5 =	simm.s32 @p1 $0x1;
	p0 =	seq.s32 s7, s2  }
0x1e: {  	s7 =	smul.u32 @!p0 $0xF7A, s2;
	p2 =	seq.s32 @!p0 s5, $0x0  }
0x1f: {  	s9 =	smul.u32 $0xF7A, s1;
	s8 =	simm.s32 @!p0 $0x1BF5;
	p2 =	por !p2, p0  }
0x20: {  	[sflag:s8] =	ssyncset.s32 @!p0 $0xFFFFF086;
	s6 =	sadd.s32 @!p0 s3, s7;
	s7 =	simm.s32 @!p0 $0x108  }
0x21: {  	s3 =	sadd.s32 s3, s9;
	s6 =	sadd.s32 @!p0 $0x88, s6;
	s7 =	simm.s32 @p2 $0x1082  }
0x22: {  	[simem:s7], [sflag:s8] =	dma.local @!p0 [hbm:s6], $0xF7A  }
0x23: {  	s9 =	sor.u32 $0xD0000000, s2;
	s6 =	simm.s32 $0x108;
	_ =	swait.ge @!p0 [sflag:s8], $0x0  }
0x24: {  	s3 =	sadd.s32 $0x88, s3;
	s6 =	simm.s32 @!p1 $0x1082;
	[sflag:s4] =	ssyncset.s32 $0xFFFFF086  }
0x25: {  	[simem:s6], [sflag:s4] =	dma.local [hbm:s3], $0xF7A  }
0x26: {  	[smem:$0x3F9F] =	sst s1;
	(tag) =	ssettag s2;
	_ =	strace s9  }
0x27: {  	s1 =	sld [smem:$0x3FAF]  }
0x28: {  	s2 =	sld [smem:$0x3FB0]  }
0x29: {  	s4 =	sld [smem:$0x3FB2]  }
0x2a: {  	p0 =	seq.s32 s5, $0x0;
	s5 =	sld [smem:$0x3FB3]  }
0x2b: {  	s6 =	sld [smem:$0x3FB4]  }
0x2c: {  	s7 =	sld [smem:$0x3FB5]  }
0x2d: {  	s3 =	simm.s32 $0x108;
	s8 =	sld [smem:$0x3FB6]  }
0x2e: {  	s3 =	simm.s32 @!p0 $0x1082;
	s9 =	sld [smem:$0x3FB7]  }
0x2f: {  	lr =	sadd.s32 s0, s3;
	s0 =	sld [smem:$0x3FAE]  }
0x30: {  	s3 =	sld [smem:$0x3FB1]  }
0x31: {  	[smem:$0x3FBA] =	sst s10  }
0x32: {  	s10 =	sld [smem:$0x3FB8];
	_ =	sdelay $0x3  }
0x33: {  	p0 =	seq.s32 s10, $0x1;
	s10 =	sld [smem:$0x3FBA];
	_ =	sdelay $0x3  }
0x34: {  	[smem:$0x3FBA] =	sst s10  }
0x35: {  	s10 =	sld [smem:$0x3FB9];
	_ =	sdelay $0x3  }
0x36: {  	p1 =	seq.s32 s10, $0x1;
	s10 =	sld [smem:$0x3FBA];
	_ =	sdelay $0x3  }
0x37: {  	[smem:$0x3FBA] =	sst s10  }
0x38: {  	s10 =	sld [smem:$0x3FBB]  }
0x39: {  	_ = 	snop;
	(pc) =	sbr.ind lr, $3  }
0x3a: {  	_ = 	snop  }
0x3b: {  	_ = 	snop  }
0x3c: {  	p2 =	seq.s32 s10, $0x1;
	s10 =	sld [smem:$0x3FBA]  }
0x3d: {  	_ =	shalt  }
0x3e: {  	_ =	shalt  }
0x3f: {  	_ =	shalt  }
0x40: {  	_ =	shalt  }
0x41: {  	_ =	shalt  }
0x42: {  	_ =	shalt  }
0x43: {  	_ =	shalt  }
0x44: {  	_ =	shalt  }
0x45: {  	_ =	shalt  }
0x46: {  	_ =	shalt  }
0x47: {  	_ =	shalt  }
0x48: {  	_ =	shalt  }
0x49: {  	_ =	shalt  }
0x4a: {  	_ =	shalt  }
0x4b: {  	_ =	shalt  }
0x4c: {  	_ =	shalt  }
0x4d: {  	_ =	shalt  }
0x4e: {  	_ =	shalt  }
0x4f: {  	_ =	shalt  }
0x50: {  	_ =	shalt  }
0x51: {  	_ =	shalt  }
0x52: {  	_ =	shalt  }
0x53: {  	_ =	shalt  }
0x54: {  	_ =	shalt  }
0x55: {  	_ =	shalt  }
0x56: {  	_ =	shalt  }
0x57: {  	_ =	shalt  }
0x58: {  	_ =	shalt  }
0x59: {  	_ =	shalt  }
0x5a: {  	_ =	shalt  }
0x5b: {  	_ =	shalt  }
0x5c: {  	_ =	shalt  }
0x5d: {  	_ =	shalt  }
0x5e: {  	_ =	shalt  }
0x5f: {  	_ =	shalt  }
0x60: {  	_ =	shalt  }
0x61: {  	_ =	shalt  }
0x62: {  	_ =	shalt  }
0x63: {  	_ =	shalt  }
0x64: {  	_ =	shalt  }
0x65: {  	_ =	shalt  }
0x66: {  	_ =	shalt  }
0x67: {  	_ =	shalt  }
0x68: {  	_ =	shalt  }
0x69: {  	_ =	shalt  }
0x6a: {  	_ =	shalt  }
0x6b: {  	_ =	shalt  }
0x6c: {  	_ =	shalt  }
0x6d: {  	_ =	shalt  }
0x6e: {  	_ =	shalt  }
0x6f: {  	_ =	shalt  }
0x70: {  	_ =	shalt  }
0x71: {  	_ =	shalt  }
0x72: {  	_ =	shalt  }
0x73: {  	_ =	shalt  }
0x74: {  	_ =	shalt  }
0x75: {  	_ =	shalt  }
0x76: {  	_ =	shalt  }
0x77: {  	_ =	shalt  }
0x78: {  	_ =	shalt  }
0x79: {  	_ =	shalt  }
0x7a: {  	_ =	shalt  }
0x7b: {  	_ =	shalt  }
0x7c: {  	_ =	shalt  }
0x7d: {  	_ =	shalt  }
0x7e: {  	_ =	shalt  }
0x7f: {  	_ =	shalt  }
0x80: {  	_ =	shalt  }
0x81: {  	_ =	shalt  }
0x82: {  	_ =	shalt  }
0x83: {  	_ =	shalt  }
0x84: {  	_ =	shalt  }
0x85: {  	_ =	shalt  }
0x86: {  	_ =	shalt  }
0x87: {  	_ =	shalt  }
.Lfunc_end0:
.L_simem_size_0:
called_computation.2_lowered:
.L_overlay_start_0:
0x88: {  	s2 =	sld [smem:$0x3FD9]  }
0x89: {  	s3 =	sld [smem:$0x3FFE];
	_ =	sdelay $0x1  }
0x8a: {  	s1 =	srdreg.scid  }
0x8b: {  	s0 =	sand.u32 $0x1, s1  }
0x8c: {  	s17 =	sshll.u32 s0, $0xA;
	s2 =	sadd.s32 s3, s2  }
0x8d: {  	s2 =	sadd.s32 s2, s17  }
0x8e: {  	[smem:$0x3FC6] =	sst s2  }
0x8f: {  	_ = 	snop  }
0x90: {  	s2 =	sld [smem:$0x3FD0];
	(tm) =	ssettm $0x1  }
0x91: {  	s18 =	sld [smem:$0x3FFB];
	_ =	sdelay $0x3  }
0x92: {  	_ =	strace s18  }
0x93: {  	s3 =	sld [smem:$0x3FFC];
	_ =	sdelay $0x3  }
0x94: {  	_ =	strace s3  }
0x95: {  	s3 =	sld [smem:$0x3FFD];
	_ =	sdelay $0x3  }
0x96: {  	_ =	strace s3  }
0x97: {  	_ =	strace $0x8FFFFFFF  }
0x98: {  	s19 =	sld [smem:$0x3FDB];
	_ =	sdelay $0x1  }
0x99: {  	s4 =	simm.s32 $_scs_section_size  }
0x9a: {  	s5 =	simm.s32 $_size__tile_overlayer_lowered;
	s6 =	simm.s32 $_tile_overlayer_lowered  }
0x9b: {  	s22 =	simm.s32 $0x1BFF;
	s21 =	sshll.u32 s6, $0x1;
	s3 =	sadd.s32 s4, s19  }
0x9c: {  	s7 =	simm.s32 $0x0;
	s20 =	sshll.u32 s5, $0x1;
	s5 =	sadd.s32 s21, s3  }
0x9d: {  	[timem:s7], [sflag:s22] =	dma.local [hbm:s5], s20  }
0x9e: {  	_ =	swait.ge [sflag:s22], s20  }
0x9f: {  	s4 =	ssub.s32 $0x0, s20;
	[sflag:s22] =	ssyncset.done $0x0  }
0xa0: {  	[sflag:s22] =	ssyncadd.s32 s4;
	_ =	sdelay $0x1  }
0xa1: {  	s23 =	simm.s32 $0x1B8B  }
0xa2: {  	_ =	swait.ge [sflag:s23], $0x1  }
0xa3: {  	[sflag:s23] =	ssyncset.done $0x0  }
0xa4: {  	s25 =	simm.s32 $0x1B8E;
	s24 =	sld [smem:$0x3FFE];
	[sflag:s23] =	ssyncadd.s32 $0xFFFFFFFF  }
0xa5: {  	s26 =	simm.s32 $execute0_lowered;
	[smem:$0x3FD2] =	sst s25  }
0xa6: {  	s5 =	sshll.u32 s26, $0x1;
	_ =	strace $0x80000046;
	[dreg:$0x1] =	wrdreg $0xFFFFFFFF  }
0xa7: {  	s28 =	simm.s32 $_size_execute0_lowered;
	s3 =	sadd.s32 s3, s5;
	[dreg:$0x0] =	wrdreg $0x0  }
0xa8: {  	s5 =	sshll.u32 s28, $0x1;
	[dreg:$0x2] =	wrdreg s3  }
0xa9: {  	[dreg:$0x3] =	wrdreg s5  }
0xaa: {  	[dreg:$0x4] =	wrdreg $0xC0  }
0xab: {  	_ =	task [dreg:s7], $0x5FFFF  }
0xac: {  	[dreg:$0x1] =	wrdreg $0xFFFFFFFF  }
0xad: {  	[dreg:$0x0] =	wrdreg $0x60  }
0xae: {  	[dreg:$0x2] =	wrdreg s24  }
0xaf: {  	[dreg:$0x3] =	wrdreg s2  }
0xb0: {  	[dreg:$0x4] =	wrdreg $0x9  }
0xb1: {  	_ =	task.clear_ibuf [dreg:s7], $0x5FFFF;
	_ =	strace $0x90000046  }
0xb2: {  	s29 =	simm.s32 $0x9;
	_ =	strace $0x80000048  }
0xb3: {  	_ =	swait.ge [sflag:s29], $0x1  }
0xb4: {  	[sflag:s29] =	ssyncadd.s32 $0xFFFFFFFF  }
0xb5: {  	_ =	strace $0x90000048  }
0xb6: {  	_ =	sfence  }
0xb7: {  	s30 =	sld [smem:$0x0];
	_ =	sdelay $0x2  }
0xb8: {  	s31 =	sshll.u32 s1, $0xD;
	s1 =	sshrl.u32 s1, $0x2  }
0xb9: {  	s3 =	sand.u32 $0x4000, s31;
	s1 =	sadd.s32 s1, s30  }
0xba: {  	s0 =	sor.u32 s3, s0;
	s1 =	sshll.u32 s1, $0x11  }
0xbb: {  	s0 =	sor.u32 s1, s0  }
0xbc: {  	s0 =	sadd.s32 $0x8F2B, s0  }
0xbd: {  	[sflag:s0] =	ssyncadd.remote.s32 $0x1  }
0xbe: {  	_ =	sfence.sel $0xFFFF  }
0xbf: {  	[dreg:$0x0] =	wrdreg $0xFFFFFFFF;
	(pc) =	sbr.abs _section_cstart, $3  }
0xc0: {  	[dreg:$0x1] =	wrdreg $0xFFFFFFFF  }
0xc1: {  	_ =	task.clear_ibuf [dreg:s7], $0x2FFFF;
	_ =	strace $0x9FFFFFFF  }
0xc2: {  	(tm) =	ssettm $0x7FFFFFFF  }
0xc3: {  	_ =	shalt  }
tec
execute0_lowered:
.L_overlay_start_1:
0x0: {  	(tag) =	ssettag $0x1  }
0x1: {  	s0 =	srdreg.scid;
	s1 =	stileid.u32  }
0x2: {  	s0 =	sand.u32 $0x1, s0;
	s2 =	sshll.u32 s1, $0x1  }
0x3: {  	s3 =	sor.u32 s0, s2  }
0x4: {  	s5 =	smul.u32 $0xC80, s3  }
0x5: {  	s4 =	rddreg [dreg:$0x1];
	s2 =	simm.s32 $0x0;
	s6 =	smul.u32 $0xC8000, s3  }
0x6: {  	[smem:$0x7FF] =	sst s2;
	s3 =	smul.u32 $0x19000, s3  }
0x7: {  	s1 =	rddreg [dreg:$0x0];
	_ =	strace $0x80000047  }
0x8: {  	s5 =	sadd.s32 s5, s1;
	s6 =	sshrl.u32 s6, $0x3;
	s3 =	sadd.s32 s4, s3  }
0x9: {  	s5 =	sadd.s32 $0xE00, s5;
	s4 =	sadd.s32 s4, s6;
	[dreg:$0x4] =	wrdreg s3  }
0xa: {  	[dreg:$0x3] =	wrdreg s5;
	s17 =	sadd.s32 $0x1000, s4  }
0xb: {  	s18 =	sadd.s32 $0x2000, s4;
	[dreg:$0x5] =	wrdreg s17  }
0xc: {  	s19 =	sadd.s32 $0x3000, s4;
	[dreg:$0x6] =	wrdreg s18  }
0xd: {  	s20 =	sadd.s32 $0x4000, s4;
	[dreg:$0x7] =	wrdreg s19  }
0xe: {  	s21 =	sadd.s32 $0x5000, s4;
	[dreg:$0x8] =	wrdreg s20  }
0xf: {  	s22 =	sadd.s32 $0x6000, s4;
	[dreg:$0x9] =	wrdreg s21  }
0x10: {  	s23 =	sadd.s32 $0x7000, s4;
	[dreg:$0xa] =	wrdreg s22  }
0x11: {  	s24 =	sadd.s32 $0x8000, s4;
	[dreg:$0xb] =	wrdreg s23  }
0x12: {  	s25 =	sadd.s32 $0x9000, s4;
	[dreg:$0xc] =	wrdreg s24  }
0x13: {  	s26 =	sadd.s32 $0xA000, s4;
	[dreg:$0xd] =	wrdreg s25  }
0x14: {  	s5 =	sadd.s32 $0xB000, s4;
	[dreg:$0xe] =	wrdreg s26  }
0x15: {  	s6 =	sadd.s32 $0xC000, s4;
	[dreg:$0xf] =	wrdreg s5  }
0x16: {  	s7 =	sadd.s32 $0xD000, s4;
	[dreg:$0x10] =	wrdreg s6  }
0x17: {  	s8 =	sadd.s32 $0xE000, s4;
	[dreg:$0x11] =	wrdreg s7  }
0x18: {  	s31 =	simm.s32 $0x7;
	s9 =	sadd.s32 $0xF000, s4;
	[dreg:$0x12] =	wrdreg s8  }
0x19: {  	s30 =	simm.s32 $0x2400;
	s10 =	sadd.s32 $0x10000, s4;
	[dreg:$0x13] =	wrdreg s9  }
0x1a: {  	s29 =	simm.s32 $0x2800;
	s11 =	sadd.s32 $0x11000, s4;
	[dreg:$0x14] =	wrdreg s10  }
0x1b: {  	s28 =	simm.s32 $0x2C00;
	s12 =	sadd.s32 $0x12000, s4;
	[dreg:$0x15] =	wrdreg s11  }
0x1c: {  	p0 =	por $0x0, $0x0;
	s13 =	sadd.s32 $0x13000, s4;
	[dreg:$0x16] =	wrdreg s12  }
0x1d: {  	s0 =	ssub.s32 $0x2, s0;
	s14 =	sadd.s32 $0x14000, s4;
	[dreg:$0x17] =	wrdreg s13  }
0x1e: {  	s3 =	simm.s32 $0x6400;
	s15 =	sadd.s32 $0x15000, s4;
	[dreg:$0x18] =	wrdreg s14  }
0x1f: {  	s16 =	sadd.s32 $0x16000, s4;
	[dreg:$0x19] =	wrdreg s15;
	s17 =	sshrl.u32 s0, $0x1  }
0x20: {  	[dreg:$0x1a] =	wrdreg s16;
	s18 =	sadd.s32 $0x17000, s4;
	s19 =	sadd.s32 $0x18000, s4  }
0x21: {  	s8 =	sadd.s32 $0xF43200, s1;
	s11 =	simm.s32 $0x400;
	s20 =	simm.s32 $0x800  }
0x22: {  	s10 =	simm.s32 $0xE400;
	s7 =	simm.s32 $0x16400;
	s5 =	simm.s32 $0x1  }
0x23: {  	s21 =	simm.s32 $0xC00;
	s4 =	simm.s32 $0x4;
	[dreg:$0x1b] =	wrdreg s18  }
0x24: {  	s22 =	simm.s32 $0x1000;
	s12 =	simm.s32 $0x2;
	[dreg:$0x1c] =	wrdreg s19  }
0x25: {  	s23 =	simm.s32 $0x1400;
	s6 =	simm.s32 $0x5;
	[dreg:$0x1d] =	wrdreg s20  }
0x26: {  	s24 =	simm.s32 $0x1800;
	s13 =	simm.s32 $0x3;
	[dreg:$0x1e] =	wrdreg s21  }
0x27: {  	s25 =	simm.s32 $0x1C00;
	s9 =	simm.s32 $0x6;
	[dreg:$0x1f] =	wrdreg s22  }
0x28: {  	s26 =	simm.s32 $0x2000;
	s0 =	ssub.s32 s0, s17;
	[smem:$0x7FA] =	sst s23  }
0x29: {  	s16 =	simm.s32 $0x5800;
	[smem:$0x7FB] =	sst s24;
	s0 =	smax.u32 s0, $0x1  }
0x2a: {  	s15 =	simm.s32 $0x5C00;
	[smem:$0x7FC] =	sst s25;
	p1 =	sne.s32 s0, $0x1  }
.Ltmp0:
0x2b: {  	s14 =	simm.s32 $0x6000;
	[smem:$0x7FD] =	sst s26;
	(pc) =	sbr.rel @!p1 .LBB2_3-.Ltmp0, $4  }
0x2c: {  	s26 =	simm.s32 $0x3000;
	s25 =	simm.s32 $0x3400;
	s24 =	simm.s32 $0x3800  }
0x2d: {  	s23 =	simm.s32 $0x3C00;
	s22 =	simm.s32 $0x4000;
	s21 =	simm.s32 $0x4400  }
0x2e: {  	s20 =	simm.s32 $0x4800;
	s19 =	simm.s32 $0x4C00;
	s18 =	simm.s32 $0x5000  }
0x2f: {  	s17 =	simm.s32 $0x5400;
	s1 =	sadd.s32 $0xFFFFFFFF, s0;
	s0 =	rddreg [dreg:$0x3]  }
0x30: {  	[tilespmem:s2], [sflag:$0x7] =	stream.linear.gather [hbm4b:s0+s2], $0x6400, $0x38;
	[tilespmem:$0x1E400] =	vst v63  }
0x31: {  	_ =	swait.ge [sflag:s31], $0x6400  }
0x32: {  	[sflag:s31] =	ssyncset.done $0x0  }
0x33: {  	[sflag:s31] =	ssyncadd.s32 $0xFFFF9C00  }
0x34: {  	[tilespmem:s3], [sflag:$0x1] =	stream.indirect.gather [hbm4b:s8+s11], $0x20, s2, s11, $0xb8;
	[tilespmem:$0x1E400] =	vst v63  }
0x35: {  	_ = 	snop  }
0x36: {  	[tilespmem:s10], [sflag:$0x2] =	stream.indirect.gather [hbm4b:s8+s11], $0x20, s11, s11, $0xb8;
	[tilespmem:$0x1E400] =	vst v63  }
0x37: {  	s0 =	rddreg [dreg:$0x1d]  }
0x38: {  	[tilespmem:s7], [sflag:$0x3] =	stream.indirect.gather [hbm4b:s8+s11], $0x20, s0, s11, $0xb8;
	[tilespmem:$0x1E400] =	vst v63  }
0x39: {  	_ =	swait.ge [sflag:s5], $0x8000  }
0x3a: {  	[sflag:s5] =	ssyncset.done $0x0  }
0x3b: {  	s0 =	rddreg [dreg:$0x4];
	[sflag:s5] =	ssyncadd.s32 $0xFFFF8000  }
0x3c: {  	[hbm4b:s0+s2] =	stream.linear.scatter [tilespmem:s3], [sflag:$0x4], $0x8000, $0x38;
	[tilespmem:$0x1E400] =	vst v63  }
0x3d: {  	_ =	swait.ge [sflag:s4], $0x8000  }
0x3e: {  	[sflag:s4] =	ssyncset.done $0x0  }
0x3f: {  	s0 =	rddreg [dreg:$0x1e];
	[sflag:s4] =	ssyncadd.s32 $0xFFFF8000  }
0x40: {  	[tilespmem:s3], [sflag:$0x1] =	stream.indirect.gather [hbm4b:s8+s11], $0x20, s0, s11, $0xb8;
	[tilespmem:$0x1E400] =	vst v63  }
0x41: {  	_ =	swait.ge [sflag:s12], $0x8000  }
0x42: {  	[sflag:s12] =	ssyncset.done $0x0  }
0x43: {  	s0 =	rddreg [dreg:$0x5];
	[sflag:s12] =	ssyncadd.s32 $0xFFFF8000  }
0x44: {  	[hbm4b:s0+s2] =	stream.linear.scatter [tilespmem:s10], [sflag:$0x5], $0x8000, $0x38;
	[tilespmem:$0x1E400] =	vst v63  }
0x45: {  	_ =	swait.ge [sflag:s6], $0x8000  }
0x46: {  	[sflag:s6] =	ssyncset.done $0x0  }
0x47: {  	s0 =	rddreg [dreg:$0x1f];
	[sflag:s6] =	ssyncadd.s32 $0xFFFF8000  }
0x48: {  	[tilespmem:s10], [sflag:$0x2] =	stream.indirect.gather [hbm4b:s8+s11], $0x20, s0, s11, $0xb8;
	[tilespmem:$0x1E400] =	vst v63  }
0x49: {  	_ =	swait.ge [sflag:s13], $0x8000  }
0x4a: {  	[sflag:s13] =	ssyncset.done $0x0  }
0x4b: {  	s0 =	rddreg [dreg:$0x6];
	[sflag:s13] =	ssyncadd.s32 $0xFFFF8000  }
0x4c: {  	[hbm4b:s0+s2] =	stream.linear.scatter [tilespmem:s7], [sflag:$0x6], $0x8000, $0x38;
	[tilespmem:$0x1E400] =	vst v63  }
0x4d: {  	_ =	swait.ge [sflag:s9], $0x8000  }
0x4e: {  	s0 =	sld [smem:$0x7FA]  }
0x4f: {  	[sflag:s9] =	ssyncset.done $0x0  }
0x50: {  	[sflag:s9] =	ssyncadd.s32 $0xFFFF8000  }
0x51: {  	[tilespmem:s7], [sflag:$0x3] =	stream.indirect.gather [hbm4b:s8+s11], $0x20, s0, s11, $0xb8;
	[tilespmem:$0x1E400] =	vst v63  }
0x52: {  	_ =	swait.ge [sflag:s5], $0x8000  }
0x53: {  	[sflag:s5] =	ssyncset.done $0x0  }
0x54: {  	s0 =	rddreg [dreg:$0x7];
	[sflag:s5] =	ssyncadd.s32 $0xFFFF8000  }
0x55: {  	[hbm4b:s0+s2] =	stream.linear.scatter [tilespmem:s3], [sflag:$0x4], $0x8000, $0x38;
	[tilespmem:$0x1E400] =	vst v63  }
0x56: {  	_ =	swait.ge [sflag:s4], $0x8000  }
0x57: {  	s0 =	sld [smem:$0x7FB]  }
0x58: {  	[sflag:s4] =	ssyncset.done $0x0  }
0x59: {  	[sflag:s4] =	ssyncadd.s32 $0xFFFF8000  }
0x5a: {  	[tilespmem:s3], [sflag:$0x1] =	stream.indirect.gather [hbm4b:s8+s11], $0x20, s0, s11, $0xb8;
	[tilespmem:$0x1E400] =	vst v63  }
0x5b: {  	_ =	swait.ge [sflag:s12], $0x8000  }
0x5c: {  	[sflag:s12] =	ssyncset.done $0x0  }
0x5d: {  	s0 =	rddreg [dreg:$0x8];
	[sflag:s12] =	ssyncadd.s32 $0xFFFF8000  }
0x5e: {  	[hbm4b:s0+s2] =	stream.linear.scatter [tilespmem:s10], [sflag:$0x5], $0x8000, $0x38;
	[tilespmem:$0x1E400] =	vst v63  }
0x5f: {  	_ =	swait.ge [sflag:s6], $0x8000  }
0x60: {  	s0 =	sld [smem:$0x7FC]  }
0x61: {  	[sflag:s6] =	ssyncset.done $0x0  }
0x62: {  	[sflag:s6] =	ssyncadd.s32 $0xFFFF8000  }
0x63: {  	[tilespmem:s10], [sflag:$0x2] =	stream.indirect.gather [hbm4b:s8+s11], $0x20, s0, s11, $0xb8;
	[tilespmem:$0x1E400] =	vst v63  }
0x64: {  	_ =	swait.ge [sflag:s13], $0x8000  }
0x65: {  	[sflag:s13] =	ssyncset.done $0x0  }
0x66: {  	s0 =	rddreg [dreg:$0x9];
	[sflag:s13] =	ssyncadd.s32 $0xFFFF8000  }
0x67: {  	[hbm4b:s0+s2] =	stream.linear.scatter [tilespmem:s7], [sflag:$0x6], $0x8000, $0x38;
	[tilespmem:$0x1E400] =	vst v63  }
0x68: {  	_ =	swait.ge [sflag:s9], $0x8000  }
0x69: {  	s0 =	sld [smem:$0x7FD]  }
0x6a: {  	[sflag:s9] =	ssyncset.done $0x0  }
0x6b: {  	[sflag:s9] =	ssyncadd.s32 $0xFFFF8000  }
0x6c: {  	[tilespmem:s7], [sflag:$0x3] =	stream.indirect.gather [hbm4b:s8+s11], $0x20, s0, s11, $0xb8;
	[tilespmem:$0x1E400] =	vst v63  }
0x6d: {  	_ =	swait.ge [sflag:s5], $0x8000  }
0x6e: {  	[sflag:s5] =	ssyncset.done $0x0  }
0x6f: {  	s0 =	rddreg [dreg:$0xa];
	[sflag:s5] =	ssyncadd.s32 $0xFFFF8000  }
0x70: {  	[hbm4b:s0+s2] =	stream.linear.scatter [tilespmem:s3], [sflag:$0x4], $0x8000, $0x38;
	[tilespmem:$0x1E400] =	vst v63  }
0x71: {  	_ =	swait.ge [sflag:s4], $0x8000  }
0x72: {  	[sflag:s4] =	ssyncset.done $0x0  }
0x73: {  	[sflag:s4] =	ssyncadd.s32 $0xFFFF8000  }
0x74: {  	[tilespmem:s3], [sflag:$0x1] =	stream.indirect.gather [hbm4b:s8+s11], $0x20, s30, s11, $0xb8;
	[tilespmem:$0x1E400] =	vst v63  }
0x75: {  	_ =	swait.ge [sflag:s12], $0x8000  }
0x76: {  	[sflag:s12] =	ssyncset.done $0x0  }
0x77: {  	s0 =	rddreg [dreg:$0xb];
	[sflag:s12] =	ssyncadd.s32 $0xFFFF8000  }
0x78: {  	[hbm4b:s0+s2] =	stream.linear.scatter [tilespmem:s10], [sflag:$0x5], $0x8000, $0x38;
	[tilespmem:$0x1E400] =	vst v63  }
0x79: {  	_ =	swait.ge [sflag:s6], $0x8000  }
0x7a: {  	[sflag:s6] =	ssyncset.done $0x0  }
0x7b: {  	[sflag:s6] =	ssyncadd.s32 $0xFFFF8000  }
0x7c: {  	[tilespmem:s10], [sflag:$0x2] =	stream.indirect.gather [hbm4b:s8+s11], $0x20, s29, s11, $0xb8;
	[tilespmem:$0x1E400] =	vst v63  }
0x7d: {  	_ =	swait.ge [sflag:s13], $0x8000  }
0x7e: {  	[sflag:s13] =	ssyncset.done $0x0  }
0x7f: {  	s0 =	rddreg [dreg:$0xc];
	[sflag:s13] =	ssyncadd.s32 $0xFFFF8000  }
0x80: {  	[hbm4b:s0+s2] =	stream.linear.scatter [tilespmem:s7], [sflag:$0x6], $0x8000, $0x38;
	[tilespmem:$0x1E400] =	vst v63  }
0x81: {  	_ =	swait.ge [sflag:s9], $0x8000  }
0x82: {  	[sflag:s9] =	ssyncset.done $0x0  }
0x83: {  	[sflag:s9] =	ssyncadd.s32 $0xFFFF8000  }
0x84: {  	[tilespmem:s7], [sflag:$0x3] =	stream.indirect.gather [hbm4b:s8+s11], $0x20, s28, s11, $0xb8;
	[tilespmem:$0x1E400] =	vst v63  }
0x85: {  	_ =	swait.ge [sflag:s5], $0x8000  }
0x86: {  	[sflag:s5] =	ssyncset.done $0x0  }
0x87: {  	s0 =	rddreg [dreg:$0xd];
	[sflag:s5] =	ssyncadd.s32 $0xFFFF8000  }
0x88: {  	[hbm4b:s0+s2] =	stream.linear.scatter [tilespmem:s3], [sflag:$0x4], $0x8000, $0x38;
	[tilespmem:$0x1E400] =	vst v63  }
0x89: {  	_ =	swait.ge [sflag:s4], $0x8000  }
0x8a: {  	[sflag:s4] =	ssyncset.done $0x0  }
0x8b: {  	[sflag:s4] =	ssyncadd.s32 $0xFFFF8000  }
0x8c: {  	[tilespmem:s3], [sflag:$0x1] =	stream.indirect.gather [hbm4b:s8+s11], $0x20, s26, s11, $0xb8;
	[tilespmem:$0x1E400] =	vst v63  }
0x8d: {  	_ =	swait.ge [sflag:s12], $0x8000  }
0x8e: {  	[sflag:s12] =	ssyncset.done $0x0  }
0x8f: {  	s0 =	rddreg [dreg:$0xe];
	[sflag:s12] =	ssyncadd.s32 $0xFFFF8000  }
0x90: {  	[hbm4b:s0+s2] =	stream.linear.scatter [tilespmem:s10], [sflag:$0x5], $0x8000, $0x38;
	[tilespmem:$0x1E400] =	vst v63  }
0x91: {  	_ =	swait.ge [sflag:s6], $0x8000  }
0x92: {  	[sflag:s6] =	ssyncset.done $0x0  }
0x93: {  	[sflag:s6] =	ssyncadd.s32 $0xFFFF8000  }
0x94: {  	[tilespmem:s10], [sflag:$0x2] =	stream.indirect.gather [hbm4b:s8+s11], $0x20, s25, s11, $0xb8;
	[tilespmem:$0x1E400] =	vst v63  }
0x95: {  	_ =	swait.ge [sflag:s13], $0x8000  }
0x96: {  	[sflag:s13] =	ssyncset.done $0x0  }
0x97: {  	s0 =	rddreg [dreg:$0xf];
	[sflag:s13] =	ssyncadd.s32 $0xFFFF8000  }
0x98: {  	[hbm4b:s0+s2] =	stream.linear.scatter [tilespmem:s7], [sflag:$0x6], $0x8000, $0x38;
	[tilespmem:$0x1E400] =	vst v63  }
0x99: {  	_ =	swait.ge [sflag:s9], $0x8000  }
0x9a: {  	[sflag:s9] =	ssyncset.done $0x0  }
0x9b: {  	[sflag:s9] =	ssyncadd.s32 $0xFFFF8000  }
0x9c: {  	[tilespmem:s7], [sflag:$0x3] =	stream.indirect.gather [hbm4b:s8+s11], $0x20, s24, s11, $0xb8;
	[tilespmem:$0x1E400] =	vst v63  }
0x9d: {  	_ =	swait.ge [sflag:s5], $0x8000  }
0x9e: {  	[sflag:s5] =	ssyncset.done $0x0  }
0x9f: {  	s0 =	rddreg [dreg:$0x10];
	[sflag:s5] =	ssyncadd.s32 $0xFFFF8000  }
0xa0: {  	[hbm4b:s0+s2] =	stream.linear.scatter [tilespmem:s3], [sflag:$0x4], $0x8000, $0x38;
	[tilespmem:$0x1E400] =	vst v63  }
0xa1: {  	_ =	swait.ge [sflag:s4], $0x8000  }
0xa2: {  	[sflag:s4] =	ssyncset.done $0x0  }
0xa3: {  	[sflag:s4] =	ssyncadd.s32 $0xFFFF8000  }
0xa4: {  	[tilespmem:s3], [sflag:$0x1] =	stream.indirect.gather [hbm4b:s8+s11], $0x20, s23, s11, $0xb8;
	[tilespmem:$0x1E400] =	vst v63  }
0xa5: {  	_ =	swait.ge [sflag:s12], $0x8000  }
0xa6: {  	[sflag:s12] =	ssyncset.done $0x0  }
0xa7: {  	s0 =	rddreg [dreg:$0x11];
	[sflag:s12] =	ssyncadd.s32 $0xFFFF8000  }
0xa8: {  	[hbm4b:s0+s2] =	stream.linear.scatter [tilespmem:s10], [sflag:$0x5], $0x8000, $0x38;
	[tilespmem:$0x1E400] =	vst v63  }
0xa9: {  	_ =	swait.ge [sflag:s6], $0x8000  }
0xaa: {  	[sflag:s6] =	ssyncset.done $0x0  }
0xab: {  	[sflag:s6] =	ssyncadd.s32 $0xFFFF8000  }
0xac: {  	[tilespmem:s10], [sflag:$0x2] =	stream.indirect.gather [hbm4b:s8+s11], $0x20, s22, s11, $0xb8;
	[tilespmem:$0x1E400] =	vst v63  }
0xad: {  	_ =	swait.ge [sflag:s13], $0x8000  }
0xae: {  	[sflag:s13] =	ssyncset.done $0x0  }
0xaf: {  	s0 =	rddreg [dreg:$0x12];
	[sflag:s13] =	ssyncadd.s32 $0xFFFF8000  }
0xb0: {  	[hbm4b:s0+s2] =	stream.linear.scatter [tilespmem:s7], [sflag:$0x6], $0x8000, $0x38;
	[tilespmem:$0x1E400] =	vst v63  }
0xb1: {  	_ =	swait.ge [sflag:s9], $0x8000  }
0xb2: {  	[sflag:s9] =	ssyncset.done $0x0  }
0xb3: {  	[sflag:s9] =	ssyncadd.s32 $0xFFFF8000  }
0xb4: {  	[tilespmem:s7], [sflag:$0x3] =	stream.indirect.gather [hbm4b:s8+s11], $0x20, s21, s11, $0xb8;
	[tilespmem:$0x1E400] =	vst v63  }
0xb5: {  	_ =	swait.ge [sflag:s5], $0x8000  }
0xb6: {  	[sflag:s5] =	ssyncset.done $0x0  }
0xb7: {  	s0 =	rddreg [dreg:$0x13];
	[sflag:s5] =	ssyncadd.s32 $0xFFFF8000  }
0xb8: {  	[hbm4b:s0+s2] =	stream.linear.scatter [tilespmem:s3], [sflag:$0x4], $0x8000, $0x38;
	[tilespmem:$0x1E400] =	vst v63  }
0xb9: {  	_ =	swait.ge [sflag:s4], $0x8000  }
0xba: {  	[sflag:s4] =	ssyncset.done $0x0  }
0xbb: {  	[sflag:s4] =	ssyncadd.s32 $0xFFFF8000  }
0xbc: {  	[tilespmem:s3], [sflag:$0x1] =	stream.indirect.gather [hbm4b:s8+s11], $0x20, s20, s11, $0xb8;
	[tilespmem:$0x1E400] =	vst v63  }
0xbd: {  	_ =	swait.ge [sflag:s12], $0x8000  }
0xbe: {  	[sflag:s12] =	ssyncset.done $0x0  }
0xbf: {  	s0 =	rddreg [dreg:$0x14];
	[sflag:s12] =	ssyncadd.s32 $0xFFFF8000  }
0xc0: {  	[hbm4b:s0+s2] =	stream.linear.scatter [tilespmem:s10], [sflag:$0x5], $0x8000, $0x38;
	[tilespmem:$0x1E400] =	vst v63  }
0xc1: {  	_ =	swait.ge [sflag:s6], $0x8000  }
0xc2: {  	[sflag:s6] =	ssyncset.done $0x0  }
0xc3: {  	[sflag:s6] =	ssyncadd.s32 $0xFFFF8000  }
0xc4: {  	[tilespmem:s10], [sflag:$0x2] =	stream.indirect.gather [hbm4b:s8+s11], $0x20, s19, s11, $0xb8;
	[tilespmem:$0x1E400] =	vst v63  }
0xc5: {  	_ =	swait.ge [sflag:s13], $0x8000  }
0xc6: {  	[sflag:s13] =	ssyncset.done $0x0  }
0xc7: {  	s0 =	rddreg [dreg:$0x15];
	[sflag:s13] =	ssyncadd.s32 $0xFFFF8000  }
0xc8: {  	[hbm4b:s0+s2] =	stream.linear.scatter [tilespmem:s7], [sflag:$0x6], $0x8000, $0x38;
	[tilespmem:$0x1E400] =	vst v63  }
0xc9: {  	_ =	swait.ge [sflag:s9], $0x8000  }
0xca: {  	[sflag:s9] =	ssyncset.done $0x0  }
0xcb: {  	[sflag:s9] =	ssyncadd.s32 $0xFFFF8000  }
0xcc: {  	[tilespmem:s7], [sflag:$0x3] =	stream.indirect.gather [hbm4b:s8+s11], $0x20, s18, s11, $0xb8;
	[tilespmem:$0x1E400] =	vst v63  }
0xcd: {  	_ =	swait.ge [sflag:s5], $0x8000  }
0xce: {  	[sflag:s5] =	ssyncset.done $0x0  }
0xcf: {  	s0 =	rddreg [dreg:$0x16];
	[sflag:s5] =	ssyncadd.s32 $0xFFFF8000  }
0xd0: {  	[hbm4b:s0+s2] =	stream.linear.scatter [tilespmem:s3], [sflag:$0x4], $0x8000, $0x38;
	[tilespmem:$0x1E400] =	vst v63  }
0xd1: {  	_ =	swait.ge [sflag:s4], $0x8000  }
0xd2: {  	[sflag:s4] =	ssyncset.done $0x0  }
0xd3: {  	[sflag:s4] =	ssyncadd.s32 $0xFFFF8000  }
0xd4: {  	[tilespmem:s3], [sflag:$0x1] =	stream.indirect.gather [hbm4b:s8+s11], $0x20, s17, s11, $0xb8;
	[tilespmem:$0x1E400] =	vst v63  }
0xd5: {  	_ =	swait.ge [sflag:s12], $0x8000  }
0xd6: {  	[sflag:s12] =	ssyncset.done $0x0  }
0xd7: {  	s0 =	rddreg [dreg:$0x17];
	[sflag:s12] =	ssyncadd.s32 $0xFFFF8000  }
0xd8: {  	[hbm4b:s0+s2] =	stream.linear.scatter [tilespmem:s10], [sflag:$0x5], $0x8000, $0x38;
	[tilespmem:$0x1E400] =	vst v63  }
0xd9: {  	_ =	swait.ge [sflag:s6], $0x8000  }
0xda: {  	[sflag:s6] =	ssyncset.done $0x0  }
0xdb: {  	[sflag:s6] =	ssyncadd.s32 $0xFFFF8000  }
0xdc: {  	[tilespmem:s10], [sflag:$0x2] =	stream.indirect.gather [hbm4b:s8+s11], $0x20, s16, s11, $0xb8;
	[tilespmem:$0x1E400] =	vst v63  }
0xdd: {  	_ =	swait.ge [sflag:s13], $0x8000  }
0xde: {  	[sflag:s13] =	ssyncset.done $0x0  }
0xdf: {  	s0 =	rddreg [dreg:$0x18];
	[sflag:s13] =	ssyncadd.s32 $0xFFFF8000  }
0xe0: {  	[hbm4b:s0+s2] =	stream.linear.scatter [tilespmem:s7], [sflag:$0x6], $0x8000, $0x38;
	[tilespmem:$0x1E400] =	vst v63  }
0xe1: {  	_ =	swait.ge [sflag:s9], $0x8000  }
0xe2: {  	[sflag:s9] =	ssyncset.done $0x0  }
0xe3: {  	[sflag:s9] =	ssyncadd.s32 $0xFFFF8000  }
0xe4: {  	[tilespmem:s7], [sflag:$0x3] =	stream.indirect.gather [hbm4b:s8+s11], $0x20, s15, s11, $0xb8;
	[tilespmem:$0x1E400] =	vst v63  }
0xe5: {  	_ =	swait.ge [sflag:s5], $0x8000  }
0xe6: {  	[sflag:s5] =	ssyncset.done $0x0  }
0xe7: {  	s0 =	rddreg [dreg:$0x19];
	[sflag:s5] =	ssyncadd.s32 $0xFFFF8000  }
0xe8: {  	[hbm4b:s0+s2] =	stream.linear.scatter [tilespmem:s3], [sflag:$0x4], $0x8000, $0x38;
	[tilespmem:$0x1E400] =	vst v63  }
0xe9: {  	_ =	swait.ge [sflag:s4], $0x8000  }
0xea: {  	[sflag:s4] =	ssyncset.done $0x0  }
0xeb: {  	[sflag:s4] =	ssyncadd.s32 $0xFFFF8000  }
0xec: {  	[tilespmem:s3], [sflag:$0x1] =	stream.indirect.gather [hbm4b:s8+s11], $0x20, s14, s11, $0xb8;
	[tilespmem:$0x1E400] =	vst v63  }
0xed: {  	_ =	swait.ge [sflag:s12], $0x8000  }
0xee: {  	[sflag:s12] =	ssyncset.done $0x0  }
0xef: {  	s0 =	rddreg [dreg:$0x1a];
	[sflag:s12] =	ssyncadd.s32 $0xFFFF8000  }
0xf0: {  	[hbm4b:s0+s2] =	stream.linear.scatter [tilespmem:s10], [sflag:$0x5], $0x8000, $0x38;
	[tilespmem:$0x1E400] =	vst v63  }
0xf1: {  	_ =	swait.ge [sflag:s13], $0x8000  }
0xf2: {  	[sflag:s13] =	ssyncset.done $0x0  }
0xf3: {  	s0 =	rddreg [dreg:$0x1b];
	[sflag:s13] =	ssyncadd.s32 $0xFFFF8000  }
0xf4: {  	[hbm4b:s0+s2] =	stream.linear.scatter [tilespmem:s7], [sflag:$0x6], $0x8000, $0x38;
	[tilespmem:$0x1E400] =	vst v63  }
0xf5: {  	_ =	swait.ge [sflag:s5], $0x8000  }
0xf6: {  	[sflag:s5] =	ssyncset.done $0x0  }
0xf7: {  	s0 =	rddreg [dreg:$0x1c];
	[sflag:s5] =	ssyncadd.s32 $0xFFFF8000  }
0xf8: {  	[hbm4b:s0+s2] =	stream.linear.scatter [tilespmem:s3], [sflag:$0x4], $0x8000, $0x38;
	[tilespmem:$0x1E400] =	vst v63  }
0xf9: {  	_ =	swait.ge [sflag:s4], $0x8000  }
0xfa: {  	[sflag:s4] =	ssyncset.done $0x0  }
0xfb: {  	p1 =	sne.s32 s1, $0x1;
	[sflag:s4] =	ssyncadd.s32 $0xFFFF8000  }
.Ltmp1:
0xfc: {  	_ =	swait.ge [sflag:s6], $0x8000;
	(pc) =	sbr.rel @!p1 .LBB2_3-.Ltmp1, $4  }
0xfd: {  	[sflag:s6] =	ssyncset.done $0x0  }
0xfe: {  	[sflag:s6] =	ssyncadd.s32 $0xFFFF8000  }
0xff: {  	s1 =	sadd.s32 $0xFFFFFFFF, s1;
	_ =	swait.ge [sflag:s9], $0x8000  }
0x100: {  	p0 =	por $0x1, $0x1;
	s0 =	rddreg [dreg:$0x3];
	[sflag:s9] =	ssyncset.done $0x0  }
.LBB2_2:
0x101: {  	[sflag:s9] =	ssyncadd.s32 $0xFFFF8000  }
0x102: {  	[tilespmem:s2], [sflag:$0x7] =	stream.linear.gather [hbm4b:s0+s2], $0x6400, $0x38;
	[tilespmem:$0x1E400] =	vst v63  }
0x103: {  	_ =	swait.ge [sflag:s31], $0x6400  }
0x104: {  	[sflag:s31] =	ssyncset.done $0x0  }
0x105: {  	[sflag:s31] =	ssyncadd.s32 $0xFFFF9C00  }
0x106: {  	[tilespmem:s3], [sflag:$0x1] =	stream.indirect.gather [hbm4b:s8+s11], $0x20, s2, s11, $0xb8;
	[tilespmem:$0x1E400] =	vst v63  }
0x107: {  	_ = 	snop  }
0x108: {  	[tilespmem:s10], [sflag:$0x2] =	stream.indirect.gather [hbm4b:s8+s11], $0x20, s11, s11, $0xb8;
	[tilespmem:$0x1E400] =	vst v63  }
0x109: {  	s0 =	rddreg [dreg:$0x1d]  }
0x10a: {  	[tilespmem:s7], [sflag:$0x3] =	stream.indirect.gather [hbm4b:s8+s11], $0x20, s0, s11, $0xb8;
	[tilespmem:$0x1E400] =	vst v63  }
0x10b: {  	_ =	swait.ge [sflag:s5], $0x8000  }
0x10c: {  	[sflag:s5] =	ssyncset.done $0x0  }
0x10d: {  	s0 =	rddreg [dreg:$0x4];
	[sflag:s5] =	ssyncadd.s32 $0xFFFF8000  }
0x10e: {  	[hbm4b:s0+s2] =	stream.linear.scatter [tilespmem:s3], [sflag:$0x4], $0x8000, $0x38;
	[tilespmem:$0x1E400] =	vst v63  }
0x10f: {  	_ =	swait.ge [sflag:s4], $0x8000  }
0x110: {  	[sflag:s4] =	ssyncset.done $0x0  }
0x111: {  	s0 =	rddreg [dreg:$0x1e];
	[sflag:s4] =	ssyncadd.s32 $0xFFFF8000  }
0x112: {  	[tilespmem:s3], [sflag:$0x1] =	stream.indirect.gather [hbm4b:s8+s11], $0x20, s0, s11, $0xb8;
	[tilespmem:$0x1E400] =	vst v63  }
0x113: {  	_ =	swait.ge [sflag:s12], $0x8000  }
0x114: {  	[sflag:s12] =	ssyncset.done $0x0  }
0x115: {  	s0 =	rddreg [dreg:$0x5];
	[sflag:s12] =	ssyncadd.s32 $0xFFFF8000  }
0x116: {  	[hbm4b:s0+s2] =	stream.linear.scatter [tilespmem:s10], [sflag:$0x5], $0x8000, $0x38;
	[tilespmem:$0x1E400] =	vst v63  }
0x117: {  	_ =	swait.ge [sflag:s6], $0x8000  }
0x118: {  	[sflag:s6] =	ssyncset.done $0x0  }
0x119: {  	s0 =	rddreg [dreg:$0x1f];
	[sflag:s6] =	ssyncadd.s32 $0xFFFF8000  }
0x11a: {  	[tilespmem:s10], [sflag:$0x2] =	stream.indirect.gather [hbm4b:s8+s11], $0x20, s0, s11, $0xb8;
	[tilespmem:$0x1E400] =	vst v63  }
0x11b: {  	_ =	swait.ge [sflag:s13], $0x8000  }
0x11c: {  	[sflag:s13] =	ssyncset.done $0x0  }
0x11d: {  	s0 =	rddreg [dreg:$0x6];
	[sflag:s13] =	ssyncadd.s32 $0xFFFF8000  }
0x11e: {  	[hbm4b:s0+s2] =	stream.linear.scatter [tilespmem:s7], [sflag:$0x6], $0x8000, $0x38;
	[tilespmem:$0x1E400] =	vst v63  }
0x11f: {  	_ =	swait.ge [sflag:s9], $0x8000  }
0x120: {  	s0 =	sld [smem:$0x7FA]  }
0x121: {  	[sflag:s9] =	ssyncset.done $0x0  }
0x122: {  	[sflag:s9] =	ssyncadd.s32 $0xFFFF8000  }
0x123: {  	[tilespmem:s7], [sflag:$0x3] =	stream.indirect.gather [hbm4b:s8+s11], $0x20, s0, s11, $0xb8;
	[tilespmem:$0x1E400] =	vst v63  }
0x124: {  	_ =	swait.ge [sflag:s5], $0x8000  }
0x125: {  	[sflag:s5] =	ssyncset.done $0x0  }
0x126: {  	s0 =	rddreg [dreg:$0x7];
	[sflag:s5] =	ssyncadd.s32 $0xFFFF8000  }
0x127: {  	[hbm4b:s0+s2] =	stream.linear.scatter [tilespmem:s3], [sflag:$0x4], $0x8000, $0x38;
	[tilespmem:$0x1E400] =	vst v63  }
0x128: {  	_ =	swait.ge [sflag:s4], $0x8000  }
0x129: {  	s0 =	sld [smem:$0x7FB]  }
0x12a: {  	[sflag:s4] =	ssyncset.done $0x0  }
0x12b: {  	[sflag:s4] =	ssyncadd.s32 $0xFFFF8000  }
0x12c: {  	[tilespmem:s3], [sflag:$0x1] =	stream.indirect.gather [hbm4b:s8+s11], $0x20, s0, s11, $0xb8;
	[tilespmem:$0x1E400] =	vst v63  }
0x12d: {  	_ =	swait.ge [sflag:s12], $0x8000  }
0x12e: {  	[sflag:s12] =	ssyncset.done $0x0  }
0x12f: {  	s0 =	rddreg [dreg:$0x8];
	[sflag:s12] =	ssyncadd.s32 $0xFFFF8000  }
0x130: {  	[hbm4b:s0+s2] =	stream.linear.scatter [tilespmem:s10], [sflag:$0x5], $0x8000, $0x38;
	[tilespmem:$0x1E400] =	vst v63  }
0x131: {  	_ =	swait.ge [sflag:s6], $0x8000  }
0x132: {  	s0 =	sld [smem:$0x7FC]  }
0x133: {  	[sflag:s6] =	ssyncset.done $0x0  }
0x134: {  	[sflag:s6] =	ssyncadd.s32 $0xFFFF8000  }
0x135: {  	[tilespmem:s10], [sflag:$0x2] =	stream.indirect.gather [hbm4b:s8+s11], $0x20, s0, s11, $0xb8;
	[tilespmem:$0x1E400] =	vst v63  }
0x136: {  	_ =	swait.ge [sflag:s13], $0x8000  }
0x137: {  	[sflag:s13] =	ssyncset.done $0x0  }
0x138: {  	s0 =	rddreg [dreg:$0x9];
	[sflag:s13] =	ssyncadd.s32 $0xFFFF8000  }
0x139: {  	[hbm4b:s0+s2] =	stream.linear.scatter [tilespmem:s7], [sflag:$0x6], $0x8000, $0x38;
	[tilespmem:$0x1E400] =	vst v63  }
0x13a: {  	_ =	swait.ge [sflag:s9], $0x8000  }
0x13b: {  	s0 =	sld [smem:$0x7FD]  }
0x13c: {  	[sflag:s9] =	ssyncset.done $0x0  }
0x13d: {  	[sflag:s9] =	ssyncadd.s32 $0xFFFF8000  }
0x13e: {  	[tilespmem:s7], [sflag:$0x3] =	stream.indirect.gather [hbm4b:s8+s11], $0x20, s0, s11, $0xb8;
	[tilespmem:$0x1E400] =	vst v63  }
0x13f: {  	_ =	swait.ge [sflag:s5], $0x8000  }
0x140: {  	[sflag:s5] =	ssyncset.done $0x0  }
0x141: {  	s0 =	rddreg [dreg:$0xa];
	[sflag:s5] =	ssyncadd.s32 $0xFFFF8000  }
0x142: {  	[hbm4b:s0+s2] =	stream.linear.scatter [tilespmem:s3], [sflag:$0x4], $0x8000, $0x38;
	[tilespmem:$0x1E400] =	vst v63  }
0x143: {  	_ =	swait.ge [sflag:s4], $0x8000  }
0x144: {  	[sflag:s4] =	ssyncset.done $0x0  }
0x145: {  	[sflag:s4] =	ssyncadd.s32 $0xFFFF8000  }
0x146: {  	[tilespmem:s3], [sflag:$0x1] =	stream.indirect.gather [hbm4b:s8+s11], $0x20, s30, s11, $0xb8;
	[tilespmem:$0x1E400] =	vst v63  }
0x147: {  	_ =	swait.ge [sflag:s12], $0x8000  }
0x148: {  	[sflag:s12] =	ssyncset.done $0x0  }
0x149: {  	s0 =	rddreg [dreg:$0xb];
	[sflag:s12] =	ssyncadd.s32 $0xFFFF8000  }
0x14a: {  	[hbm4b:s0+s2] =	stream.linear.scatter [tilespmem:s10], [sflag:$0x5], $0x8000, $0x38;
	[tilespmem:$0x1E400] =	vst v63  }
0x14b: {  	_ =	swait.ge [sflag:s6], $0x8000  }
0x14c: {  	[sflag:s6] =	ssyncset.done $0x0  }
0x14d: {  	[sflag:s6] =	ssyncadd.s32 $0xFFFF8000  }
0x14e: {  	[tilespmem:s10], [sflag:$0x2] =	stream.indirect.gather [hbm4b:s8+s11], $0x20, s29, s11, $0xb8;
	[tilespmem:$0x1E400] =	vst v63  }
0x14f: {  	_ =	swait.ge [sflag:s13], $0x8000  }
0x150: {  	[sflag:s13] =	ssyncset.done $0x0  }
0x151: {  	s0 =	rddreg [dreg:$0xc];
	[sflag:s13] =	ssyncadd.s32 $0xFFFF8000  }
0x152: {  	[hbm4b:s0+s2] =	stream.linear.scatter [tilespmem:s7], [sflag:$0x6], $0x8000, $0x38;
	[tilespmem:$0x1E400] =	vst v63  }
0x153: {  	_ =	swait.ge [sflag:s9], $0x8000  }
0x154: {  	[sflag:s9] =	ssyncset.done $0x0  }
0x155: {  	[sflag:s9] =	ssyncadd.s32 $0xFFFF8000  }
0x156: {  	[tilespmem:s7], [sflag:$0x3] =	stream.indirect.gather [hbm4b:s8+s11], $0x20, s28, s11, $0xb8;
	[tilespmem:$0x1E400] =	vst v63  }
0x157: {  	_ =	swait.ge [sflag:s5], $0x8000  }
0x158: {  	[sflag:s5] =	ssyncset.done $0x0  }
0x159: {  	s0 =	rddreg [dreg:$0xd];
	[sflag:s5] =	ssyncadd.s32 $0xFFFF8000  }
0x15a: {  	[hbm4b:s0+s2] =	stream.linear.scatter [tilespmem:s3], [sflag:$0x4], $0x8000, $0x38;
	[tilespmem:$0x1E400] =	vst v63  }
0x15b: {  	_ =	swait.ge [sflag:s4], $0x8000  }
0x15c: {  	[sflag:s4] =	ssyncset.done $0x0  }
0x15d: {  	[sflag:s4] =	ssyncadd.s32 $0xFFFF8000  }
0x15e: {  	[tilespmem:s3], [sflag:$0x1] =	stream.indirect.gather [hbm4b:s8+s11], $0x20, s26, s11, $0xb8;
	[tilespmem:$0x1E400] =	vst v63  }
0x15f: {  	_ =	swait.ge [sflag:s12], $0x8000  }
0x160: {  	[sflag:s12] =	ssyncset.done $0x0  }
0x161: {  	s0 =	rddreg [dreg:$0xe];
	[sflag:s12] =	ssyncadd.s32 $0xFFFF8000  }
0x162: {  	[hbm4b:s0+s2] =	stream.linear.scatter [tilespmem:s10], [sflag:$0x5], $0x8000, $0x38;
	[tilespmem:$0x1E400] =	vst v63  }
0x163: {  	_ =	swait.ge [sflag:s6], $0x8000  }
0x164: {  	[sflag:s6] =	ssyncset.done $0x0  }
0x165: {  	[sflag:s6] =	ssyncadd.s32 $0xFFFF8000  }
0x166: {  	[tilespmem:s10], [sflag:$0x2] =	stream.indirect.gather [hbm4b:s8+s11], $0x20, s25, s11, $0xb8;
	[tilespmem:$0x1E400] =	vst v63  }
0x167: {  	_ =	swait.ge [sflag:s13], $0x8000  }
0x168: {  	[sflag:s13] =	ssyncset.done $0x0  }
0x169: {  	s0 =	rddreg [dreg:$0xf];
	[sflag:s13] =	ssyncadd.s32 $0xFFFF8000  }
0x16a: {  	[hbm4b:s0+s2] =	stream.linear.scatter [tilespmem:s7], [sflag:$0x6], $0x8000, $0x38;
	[tilespmem:$0x1E400] =	vst v63  }
0x16b: {  	_ =	swait.ge [sflag:s9], $0x8000  }
0x16c: {  	[sflag:s9] =	ssyncset.done $0x0  }
0x16d: {  	[sflag:s9] =	ssyncadd.s32 $0xFFFF8000  }
0x16e: {  	[tilespmem:s7], [sflag:$0x3] =	stream.indirect.gather [hbm4b:s8+s11], $0x20, s24, s11, $0xb8;
	[tilespmem:$0x1E400] =	vst v63  }
0x16f: {  	_ =	swait.ge [sflag:s5], $0x8000  }
0x170: {  	[sflag:s5] =	ssyncset.done $0x0  }
0x171: {  	s0 =	rddreg [dreg:$0x10];
	[sflag:s5] =	ssyncadd.s32 $0xFFFF8000  }
0x172: {  	[hbm4b:s0+s2] =	stream.linear.scatter [tilespmem:s3], [sflag:$0x4], $0x8000, $0x38;
	[tilespmem:$0x1E400] =	vst v63  }
0x173: {  	_ =	swait.ge [sflag:s4], $0x8000  }
0x174: {  	[sflag:s4] =	ssyncset.done $0x0  }
0x175: {  	[sflag:s4] =	ssyncadd.s32 $0xFFFF8000  }
0x176: {  	[tilespmem:s3], [sflag:$0x1] =	stream.indirect.gather [hbm4b:s8+s11], $0x20, s23, s11, $0xb8;
	[tilespmem:$0x1E400] =	vst v63  }
0x177: {  	_ =	swait.ge [sflag:s12], $0x8000  }
0x178: {  	[sflag:s12] =	ssyncset.done $0x0  }
0x179: {  	s0 =	rddreg [dreg:$0x11];
	[sflag:s12] =	ssyncadd.s32 $0xFFFF8000  }
0x17a: {  	[hbm4b:s0+s2] =	stream.linear.scatter [tilespmem:s10], [sflag:$0x5], $0x8000, $0x38;
	[tilespmem:$0x1E400] =	vst v63  }
0x17b: {  	_ =	swait.ge [sflag:s6], $0x8000  }
0x17c: {  	[sflag:s6] =	ssyncset.done $0x0  }
0x17d: {  	[sflag:s6] =	ssyncadd.s32 $0xFFFF8000  }
0x17e: {  	[tilespmem:s10], [sflag:$0x2] =	stream.indirect.gather [hbm4b:s8+s11], $0x20, s22, s11, $0xb8;
	[tilespmem:$0x1E400] =	vst v63  }
0x17f: {  	_ =	swait.ge [sflag:s13], $0x8000  }
0x180: {  	[sflag:s13] =	ssyncset.done $0x0  }
0x181: {  	s0 =	rddreg [dreg:$0x12];
	[sflag:s13] =	ssyncadd.s32 $0xFFFF8000  }
0x182: {  	[hbm4b:s0+s2] =	stream.linear.scatter [tilespmem:s7], [sflag:$0x6], $0x8000, $0x38;
	[tilespmem:$0x1E400] =	vst v63  }
0x183: {  	_ =	swait.ge [sflag:s9], $0x8000  }
0x184: {  	[sflag:s9] =	ssyncset.done $0x0  }
0x185: {  	[sflag:s9] =	ssyncadd.s32 $0xFFFF8000  }
0x186: {  	[tilespmem:s7], [sflag:$0x3] =	stream.indirect.gather [hbm4b:s8+s11], $0x20, s21, s11, $0xb8;
	[tilespmem:$0x1E400] =	vst v63  }
0x187: {  	_ =	swait.ge [sflag:s5], $0x8000  }
0x188: {  	[sflag:s5] =	ssyncset.done $0x0  }
0x189: {  	s0 =	rddreg [dreg:$0x13];
	[sflag:s5] =	ssyncadd.s32 $0xFFFF8000  }
0x18a: {  	[hbm4b:s0+s2] =	stream.linear.scatter [tilespmem:s3], [sflag:$0x4], $0x8000, $0x38;
	[tilespmem:$0x1E400] =	vst v63  }
0x18b: {  	_ =	swait.ge [sflag:s4], $0x8000  }
0x18c: {  	[sflag:s4] =	ssyncset.done $0x0  }
0x18d: {  	[sflag:s4] =	ssyncadd.s32 $0xFFFF8000  }
0x18e: {  	[tilespmem:s3], [sflag:$0x1] =	stream.indirect.gather [hbm4b:s8+s11], $0x20, s20, s11, $0xb8;
	[tilespmem:$0x1E400] =	vst v63  }
0x18f: {  	_ =	swait.ge [sflag:s12], $0x8000  }
0x190: {  	[sflag:s12] =	ssyncset.done $0x0  }
0x191: {  	s0 =	rddreg [dreg:$0x14];
	[sflag:s12] =	ssyncadd.s32 $0xFFFF8000  }
0x192: {  	[hbm4b:s0+s2] =	stream.linear.scatter [tilespmem:s10], [sflag:$0x5], $0x8000, $0x38;
	[tilespmem:$0x1E400] =	vst v63  }
0x193: {  	_ =	swait.ge [sflag:s6], $0x8000  }
0x194: {  	[sflag:s6] =	ssyncset.done $0x0  }
0x195: {  	[sflag:s6] =	ssyncadd.s32 $0xFFFF8000  }
0x196: {  	[tilespmem:s10], [sflag:$0x2] =	stream.indirect.gather [hbm4b:s8+s11], $0x20, s19, s11, $0xb8;
	[tilespmem:$0x1E400] =	vst v63  }
0x197: {  	_ =	swait.ge [sflag:s13], $0x8000  }
0x198: {  	[sflag:s13] =	ssyncset.done $0x0  }
0x199: {  	s0 =	rddreg [dreg:$0x15];
	[sflag:s13] =	ssyncadd.s32 $0xFFFF8000  }
0x19a: {  	[hbm4b:s0+s2] =	stream.linear.scatter [tilespmem:s7], [sflag:$0x6], $0x8000, $0x38;
	[tilespmem:$0x1E400] =	vst v63  }
0x19b: {  	_ =	swait.ge [sflag:s9], $0x8000  }
0x19c: {  	[sflag:s9] =	ssyncset.done $0x0  }
0x19d: {  	[sflag:s9] =	ssyncadd.s32 $0xFFFF8000  }
0x19e: {  	[tilespmem:s7], [sflag:$0x3] =	stream.indirect.gather [hbm4b:s8+s11], $0x20, s18, s11, $0xb8;
	[tilespmem:$0x1E400] =	vst v63  }
0x19f: {  	_ =	swait.ge [sflag:s5], $0x8000  }
0x1a0: {  	[sflag:s5] =	ssyncset.done $0x0  }
0x1a1: {  	s0 =	rddreg [dreg:$0x16];
	[sflag:s5] =	ssyncadd.s32 $0xFFFF8000  }
0x1a2: {  	[hbm4b:s0+s2] =	stream.linear.scatter [tilespmem:s3], [sflag:$0x4], $0x8000, $0x38;
	[tilespmem:$0x1E400] =	vst v63  }
0x1a3: {  	_ =	swait.ge [sflag:s4], $0x8000  }
0x1a4: {  	[sflag:s4] =	ssyncset.done $0x0  }
0x1a5: {  	[sflag:s4] =	ssyncadd.s32 $0xFFFF8000  }
0x1a6: {  	[tilespmem:s3], [sflag:$0x1] =	stream.indirect.gather [hbm4b:s8+s11], $0x20, s17, s11, $0xb8;
	[tilespmem:$0x1E400] =	vst v63  }
0x1a7: {  	_ =	swait.ge [sflag:s12], $0x8000  }
0x1a8: {  	[sflag:s12] =	ssyncset.done $0x0  }
0x1a9: {  	s0 =	rddreg [dreg:$0x17];
	[sflag:s12] =	ssyncadd.s32 $0xFFFF8000  }
0x1aa: {  	[hbm4b:s0+s2] =	stream.linear.scatter [tilespmem:s10], [sflag:$0x5], $0x8000, $0x38;
	[tilespmem:$0x1E400] =	vst v63  }
0x1ab: {  	_ =	swait.ge [sflag:s6], $0x8000  }
0x1ac: {  	[sflag:s6] =	ssyncset.done $0x0  }
0x1ad: {  	[sflag:s6] =	ssyncadd.s32 $0xFFFF8000  }
0x1ae: {  	[tilespmem:s10], [sflag:$0x2] =	stream.indirect.gather [hbm4b:s8+s11], $0x20, s16, s11, $0xb8;
	[tilespmem:$0x1E400] =	vst v63  }
0x1af: {  	_ =	swait.ge [sflag:s13], $0x8000  }
0x1b0: {  	[sflag:s13] =	ssyncset.done $0x0  }
0x1b1: {  	s0 =	rddreg [dreg:$0x18];
	[sflag:s13] =	ssyncadd.s32 $0xFFFF8000  }
0x1b2: {  	[hbm4b:s0+s2] =	stream.linear.scatter [tilespmem:s7], [sflag:$0x6], $0x8000, $0x38;
	[tilespmem:$0x1E400] =	vst v63  }
0x1b3: {  	_ =	swait.ge [sflag:s9], $0x8000  }
0x1b4: {  	[sflag:s9] =	ssyncset.done $0x0  }
0x1b5: {  	[sflag:s9] =	ssyncadd.s32 $0xFFFF8000  }
0x1b6: {  	[tilespmem:s7], [sflag:$0x3] =	stream.indirect.gather [hbm4b:s8+s11], $0x20, s15, s11, $0xb8;
	[tilespmem:$0x1E400] =	vst v63  }
0x1b7: {  	_ =	swait.ge [sflag:s5], $0x8000  }
0x1b8: {  	[sflag:s5] =	ssyncset.done $0x0  }
0x1b9: {  	s0 =	rddreg [dreg:$0x19];
	[sflag:s5] =	ssyncadd.s32 $0xFFFF8000  }
0x1ba: {  	[hbm4b:s0+s2] =	stream.linear.scatter [tilespmem:s3], [sflag:$0x4], $0x8000, $0x38;
	[tilespmem:$0x1E400] =	vst v63  }
0x1bb: {  	_ =	swait.ge [sflag:s4], $0x8000  }
0x1bc: {  	[sflag:s4] =	ssyncset.done $0x0  }
0x1bd: {  	[sflag:s4] =	ssyncadd.s32 $0xFFFF8000  }
0x1be: {  	[tilespmem:s3], [sflag:$0x1] =	stream.indirect.gather [hbm4b:s8+s11], $0x20, s14, s11, $0xb8;
	[tilespmem:$0x1E400] =	vst v63  }
0x1bf: {  	_ =	swait.ge [sflag:s12], $0x8000  }
0x1c0: {  	[sflag:s12] =	ssyncset.done $0x0  }
0x1c1: {  	s0 =	rddreg [dreg:$0x1a];
	[sflag:s12] =	ssyncadd.s32 $0xFFFF8000  }
0x1c2: {  	[hbm4b:s0+s2] =	stream.linear.scatter [tilespmem:s10], [sflag:$0x5], $0x8000, $0x38;
	[tilespmem:$0x1E400] =	vst v63  }
0x1c3: {  	_ =	swait.ge [sflag:s13], $0x8000  }
0x1c4: {  	[sflag:s13] =	ssyncset.done $0x0  }
0x1c5: {  	s0 =	rddreg [dreg:$0x1b];
	[sflag:s13] =	ssyncadd.s32 $0xFFFF8000  }
0x1c6: {  	[hbm4b:s0+s2] =	stream.linear.scatter [tilespmem:s7], [sflag:$0x6], $0x8000, $0x38;
	[tilespmem:$0x1E400] =	vst v63  }
0x1c7: {  	_ =	swait.ge [sflag:s5], $0x8000  }
0x1c8: {  	[sflag:s5] =	ssyncset.done $0x0  }
0x1c9: {  	s0 =	rddreg [dreg:$0x1c];
	[sflag:s5] =	ssyncadd.s32 $0xFFFF8000  }
0x1ca: {  	[hbm4b:s0+s2] =	stream.linear.scatter [tilespmem:s3], [sflag:$0x4], $0x8000, $0x38;
	[tilespmem:$0x1E400] =	vst v63  }
0x1cb: {  	_ =	swait.ge [sflag:s4], $0x8000  }
0x1cc: {  	[sflag:s4] =	ssyncset.done $0x0  }
0x1cd: {  	p1 =	sne.s32 s1, $0x1;
	[sflag:s4] =	ssyncadd.s32 $0xFFFF8000  }
.Ltmp2:
0x1ce: {  	_ =	swait.ge [sflag:s6], $0x8000;
	(pc) =	sbr.rel @p1 .LBB2_2-.Ltmp2, $4  }
0x1cf: {  	[sflag:s6] =	ssyncset.done $0x0  }
0x1d0: {  	[sflag:s6] =	ssyncadd.s32 $0xFFFF8000  }
0x1d1: {  	_ =	swait.ge [sflag:s9], $0x8000  }
0x1d2: {  	s1 =	sadd.s32 $0xFFFFFFFF, s1;
	s0 =	rddreg [dreg:$0x3];
	[sflag:s9] =	ssyncset.done $0x0  }
.LBB2_3:
0x1d3: {  	[sflag:s9] =	ssyncadd.s32 @p0 $0xFFFF8000  }
0x1d4: {  	[tilespmem:s2], [sflag:$0x7] =	stream.linear.gather [hbm4b:s0+s2], $0x6400, $0x38;
	[tilespmem:$0x1E400] =	vst v63  }
0x1d5: {  	_ =	swait.ge [sflag:s31], $0x6400  }
0x1d6: {  	[sflag:s31] =	ssyncset.done $0x0  }
0x1d7: {  	[sflag:s31] =	ssyncadd.s32 $0xFFFF9C00  }
0x1d8: {  	[tilespmem:s3], [sflag:$0x1] =	stream.indirect.gather [hbm4b:s8+s11], $0x20, s2, s11, $0xb8;
	[tilespmem:$0x1E400] =	vst v63  }
0x1d9: {  	_ = 	snop  }
0x1da: {  	[tilespmem:s10], [sflag:$0x2] =	stream.indirect.gather [hbm4b:s8+s11], $0x20, s11, s11, $0xb8;
	[tilespmem:$0x1E400] =	vst v63  }
0x1db: {  	s31 =	rddreg [dreg:$0x1d]  }
0x1dc: {  	[tilespmem:s7], [sflag:$0x3] =	stream.indirect.gather [hbm4b:s8+s11], $0x20, s31, s11, $0xb8;
	[tilespmem:$0x1E400] =	vst v63  }
0x1dd: {  	_ =	swait.ge [sflag:s5], $0x8000  }
0x1de: {  	[sflag:s5] =	ssyncset.done $0x0  }
0x1df: {  	s1 =	rddreg [dreg:$0x4];
	[sflag:s5] =	ssyncadd.s32 $0xFFFF8000  }
0x1e0: {  	[hbm4b:s1+s2] =	stream.linear.scatter [tilespmem:s3], [sflag:$0x4], $0x8000, $0x38;
	[tilespmem:$0x1E400] =	vst v63  }
0x1e1: {  	_ =	swait.ge [sflag:s4], $0x8000  }
0x1e2: {  	[sflag:s4] =	ssyncset.done $0x0  }
0x1e3: {  	s31 =	rddreg [dreg:$0x1e];
	[sflag:s4] =	ssyncadd.s32 $0xFFFF8000  }
0x1e4: {  	[tilespmem:s3], [sflag:$0x1] =	stream.indirect.gather [hbm4b:s8+s11], $0x20, s31, s11, $0xb8;
	[tilespmem:$0x1E400] =	vst v63  }
0x1e5: {  	_ =	swait.ge [sflag:s12], $0x8000  }
0x1e6: {  	[sflag:s12] =	ssyncset.done $0x0  }
0x1e7: {  	s1 =	rddreg [dreg:$0x5];
	[sflag:s12] =	ssyncadd.s32 $0xFFFF8000  }
0x1e8: {  	[hbm4b:s1+s2] =	stream.linear.scatter [tilespmem:s10], [sflag:$0x5], $0x8000, $0x38;
	[tilespmem:$0x1E400] =	vst v63  }
0x1e9: {  	_ =	swait.ge [sflag:s6], $0x8000  }
0x1ea: {  	[sflag:s6] =	ssyncset.done $0x0  }
0x1eb: {  	s31 =	rddreg [dreg:$0x1f];
	[sflag:s6] =	ssyncadd.s32 $0xFFFF8000  }
0x1ec: {  	[tilespmem:s10], [sflag:$0x2] =	stream.indirect.gather [hbm4b:s8+s11], $0x20, s31, s11, $0xb8;
	[tilespmem:$0x1E400] =	vst v63  }
0x1ed: {  	_ =	swait.ge [sflag:s13], $0x8000  }
0x1ee: {  	[sflag:s13] =	ssyncset.done $0x0  }
0x1ef: {  	s1 =	rddreg [dreg:$0x6];
	[sflag:s13] =	ssyncadd.s32 $0xFFFF8000  }
0x1f0: {  	[hbm4b:s1+s2] =	stream.linear.scatter [tilespmem:s7], [sflag:$0x6], $0x8000, $0x38;
	[tilespmem:$0x1E400] =	vst v63  }
0x1f1: {  	_ =	swait.ge [sflag:s9], $0x8000  }
0x1f2: {  	s31 =	sld [smem:$0x7FA]  }
0x1f3: {  	[sflag:s9] =	ssyncset.done $0x0  }
0x1f4: {  	[sflag:s9] =	ssyncadd.s32 $0xFFFF8000  }
0x1f5: {  	[tilespmem:s7], [sflag:$0x3] =	stream.indirect.gather [hbm4b:s8+s11], $0x20, s31, s11, $0xb8;
	[tilespmem:$0x1E400] =	vst v63  }
0x1f6: {  	_ =	swait.ge [sflag:s5], $0x8000  }
0x1f7: {  	[sflag:s5] =	ssyncset.done $0x0  }
0x1f8: {  	s1 =	rddreg [dreg:$0x7];
	[sflag:s5] =	ssyncadd.s32 $0xFFFF8000  }
0x1f9: {  	[hbm4b:s1+s2] =	stream.linear.scatter [tilespmem:s3], [sflag:$0x4], $0x8000, $0x38;
	[tilespmem:$0x1E400] =	vst v63  }
0x1fa: {  	_ =	swait.ge [sflag:s4], $0x8000  }
0x1fb: {  	s31 =	sld [smem:$0x7FB]  }
0x1fc: {  	[sflag:s4] =	ssyncset.done $0x0  }
0x1fd: {  	[sflag:s4] =	ssyncadd.s32 $0xFFFF8000  }
0x1fe: {  	[tilespmem:s3], [sflag:$0x1] =	stream.indirect.gather [hbm4b:s8+s11], $0x20, s31, s11, $0xb8;
	[tilespmem:$0x1E400] =	vst v63  }
0x1ff: {  	_ =	swait.ge [sflag:s12], $0x8000  }
0x200: {  	[sflag:s12] =	ssyncset.done $0x0  }
0x201: {  	s1 =	rddreg [dreg:$0x8];
	[sflag:s12] =	ssyncadd.s32 $0xFFFF8000  }
0x202: {  	[hbm4b:s1+s2] =	stream.linear.scatter [tilespmem:s10], [sflag:$0x5], $0x8000, $0x38;
	[tilespmem:$0x1E400] =	vst v63  }
0x203: {  	_ =	swait.ge [sflag:s6], $0x8000  }
0x204: {  	s31 =	sld [smem:$0x7FC]  }
0x205: {  	[sflag:s6] =	ssyncset.done $0x0  }
0x206: {  	[sflag:s6] =	ssyncadd.s32 $0xFFFF8000  }
0x207: {  	[tilespmem:s10], [sflag:$0x2] =	stream.indirect.gather [hbm4b:s8+s11], $0x20, s31, s11, $0xb8;
	[tilespmem:$0x1E400] =	vst v63  }
0x208: {  	_ =	swait.ge [sflag:s13], $0x8000  }
0x209: {  	[sflag:s13] =	ssyncset.done $0x0  }
0x20a: {  	s1 =	rddreg [dreg:$0x9];
	[sflag:s13] =	ssyncadd.s32 $0xFFFF8000  }
0x20b: {  	[hbm4b:s1+s2] =	stream.linear.scatter [tilespmem:s7], [sflag:$0x6], $0x8000, $0x38;
	[tilespmem:$0x1E400] =	vst v63  }
0x20c: {  	_ =	swait.ge [sflag:s9], $0x8000  }
0x20d: {  	s31 =	sld [smem:$0x7FD]  }
0x20e: {  	[sflag:s9] =	ssyncset.done $0x0  }
0x20f: {  	[sflag:s9] =	ssyncadd.s32 $0xFFFF8000  }
0x210: {  	[tilespmem:s7], [sflag:$0x3] =	stream.indirect.gather [hbm4b:s8+s11], $0x20, s31, s11, $0xb8;
	[tilespmem:$0x1E400] =	vst v63  }
0x211: {  	_ =	swait.ge [sflag:s5], $0x8000  }
0x212: {  	[sflag:s5] =	ssyncset.done $0x0  }
0x213: {  	s1 =	rddreg [dreg:$0xa];
	[sflag:s5] =	ssyncadd.s32 $0xFFFF8000  }
0x214: {  	[hbm4b:s1+s2] =	stream.linear.scatter [tilespmem:s3], [sflag:$0x4], $0x8000, $0x38;
	[tilespmem:$0x1E400] =	vst v63  }
0x215: {  	_ =	swait.ge [sflag:s4], $0x8000  }
0x216: {  	[sflag:s4] =	ssyncset.done $0x0  }
0x217: {  	[sflag:s4] =	ssyncadd.s32 $0xFFFF8000  }
0x218: {  	[tilespmem:s3], [sflag:$0x1] =	stream.indirect.gather [hbm4b:s8+s11], $0x20, s30, s11, $0xb8;
	[tilespmem:$0x1E400] =	vst v63  }
0x219: {  	_ =	swait.ge [sflag:s12], $0x8000  }
0x21a: {  	[sflag:s12] =	ssyncset.done $0x0  }
0x21b: {  	s30 =	rddreg [dreg:$0xb];
	[sflag:s12] =	ssyncadd.s32 $0xFFFF8000  }
0x21c: {  	[hbm4b:s30+s2] =	stream.linear.scatter [tilespmem:s10], [sflag:$0x5], $0x8000, $0x38;
	[tilespmem:$0x1E400] =	vst v63  }
0x21d: {  	_ =	swait.ge [sflag:s6], $0x8000  }
0x21e: {  	[sflag:s6] =	ssyncset.done $0x0  }
0x21f: {  	[sflag:s6] =	ssyncadd.s32 $0xFFFF8000  }
0x220: {  	[tilespmem:s10], [sflag:$0x2] =	stream.indirect.gather [hbm4b:s8+s11], $0x20, s29, s11, $0xb8;
	[tilespmem:$0x1E400] =	vst v63  }
0x221: {  	_ =	swait.ge [sflag:s13], $0x8000  }
0x222: {  	[sflag:s13] =	ssyncset.done $0x0  }
0x223: {  	s31 =	rddreg [dreg:$0xc];
	[sflag:s13] =	ssyncadd.s32 $0xFFFF8000  }
0x224: {  	[hbm4b:s31+s2] =	stream.linear.scatter [tilespmem:s7], [sflag:$0x6], $0x8000, $0x38;
	[tilespmem:$0x1E400] =	vst v63  }
0x225: {  	_ =	swait.ge [sflag:s9], $0x8000  }
0x226: {  	[sflag:s9] =	ssyncset.done $0x0  }
0x227: {  	[sflag:s9] =	ssyncadd.s32 $0xFFFF8000  }
0x228: {  	[tilespmem:s7], [sflag:$0x3] =	stream.indirect.gather [hbm4b:s8+s11], $0x20, s28, s11, $0xb8;
	[tilespmem:$0x1E400] =	vst v63  }
0x229: {  	_ =	swait.ge [sflag:s5], $0x8000  }
0x22a: {  	[sflag:s5] =	ssyncset.done $0x0  }
0x22b: {  	s1 =	rddreg [dreg:$0xd];
	[sflag:s5] =	ssyncadd.s32 $0xFFFF8000  }
0x22c: {  	[hbm4b:s1+s2] =	stream.linear.scatter [tilespmem:s3], [sflag:$0x4], $0x8000, $0x38;
	[tilespmem:$0x1E400] =	vst v63  }
0x22d: {  	_ =	swait.ge [sflag:s4], $0x8000  }
0x22e: {  	[sflag:s4] =	ssyncset.done $0x0  }
0x22f: {  	[sflag:s4] =	ssyncadd.s32 $0xFFFF8000  }
0x230: {  	[tilespmem:s3], [sflag:$0x1] =	stream.indirect.gather [hbm4b:s8+s11], $0x20, s26, s11, $0xb8;
	[tilespmem:$0x1E400] =	vst v63  }
0x231: {  	_ =	swait.ge [sflag:s12], $0x8000  }
0x232: {  	[sflag:s12] =	ssyncset.done $0x0  }
0x233: {  	s26 =	rddreg [dreg:$0xe];
	[sflag:s12] =	ssyncadd.s32 $0xFFFF8000  }
0x234: {  	[hbm4b:s26+s2] =	stream.linear.scatter [tilespmem:s10], [sflag:$0x5], $0x8000, $0x38;
	[tilespmem:$0x1E400] =	vst v63  }
0x235: {  	_ =	swait.ge [sflag:s6], $0x8000  }
0x236: {  	[sflag:s6] =	ssyncset.done $0x0  }
0x237: {  	[sflag:s6] =	ssyncadd.s32 $0xFFFF8000  }
0x238: {  	[tilespmem:s10], [sflag:$0x2] =	stream.indirect.gather [hbm4b:s8+s11], $0x20, s25, s11, $0xb8;
	[tilespmem:$0x1E400] =	vst v63  }
0x239: {  	_ =	swait.ge [sflag:s13], $0x8000  }
0x23a: {  	[sflag:s13] =	ssyncset.done $0x0  }
0x23b: {  	s28 =	rddreg [dreg:$0xf];
	[sflag:s13] =	ssyncadd.s32 $0xFFFF8000  }
0x23c: {  	[hbm4b:s28+s2] =	stream.linear.scatter [tilespmem:s7], [sflag:$0x6], $0x8000, $0x38;
	[tilespmem:$0x1E400] =	vst v63  }
0x23d: {  	_ =	swait.ge [sflag:s9], $0x8000  }
0x23e: {  	[sflag:s9] =	ssyncset.done $0x0  }
0x23f: {  	[sflag:s9] =	ssyncadd.s32 $0xFFFF8000  }
0x240: {  	[tilespmem:s7], [sflag:$0x3] =	stream.indirect.gather [hbm4b:s8+s11], $0x20, s24, s11, $0xb8;
	[tilespmem:$0x1E400] =	vst v63  }
0x241: {  	_ =	swait.ge [sflag:s5], $0x8000  }
0x242: {  	[sflag:s5] =	ssyncset.done $0x0  }
0x243: {  	s29 =	rddreg [dreg:$0x10];
	[sflag:s5] =	ssyncadd.s32 $0xFFFF8000  }
0x244: {  	[hbm4b:s29+s2] =	stream.linear.scatter [tilespmem:s3], [sflag:$0x4], $0x8000, $0x38;
	[tilespmem:$0x1E400] =	vst v63  }
0x245: {  	_ =	swait.ge [sflag:s4], $0x8000  }
0x246: {  	[sflag:s4] =	ssyncset.done $0x0  }
0x247: {  	[sflag:s4] =	ssyncadd.s32 $0xFFFF8000  }
0x248: {  	[tilespmem:s3], [sflag:$0x1] =	stream.indirect.gather [hbm4b:s8+s11], $0x20, s23, s11, $0xb8;
	[tilespmem:$0x1E400] =	vst v63  }
0x249: {  	_ =	swait.ge [sflag:s12], $0x8000  }
0x24a: {  	[sflag:s12] =	ssyncset.done $0x0  }
0x24b: {  	s30 =	rddreg [dreg:$0x11];
	[sflag:s12] =	ssyncadd.s32 $0xFFFF8000  }
0x24c: {  	[hbm4b:s30+s2] =	stream.linear.scatter [tilespmem:s10], [sflag:$0x5], $0x8000, $0x38;
	[tilespmem:$0x1E400] =	vst v63  }
0x24d: {  	_ =	swait.ge [sflag:s6], $0x8000  }
0x24e: {  	[sflag:s6] =	ssyncset.done $0x0  }
0x24f: {  	[sflag:s6] =	ssyncadd.s32 $0xFFFF8000  }
0x250: {  	[tilespmem:s10], [sflag:$0x2] =	stream.indirect.gather [hbm4b:s8+s11], $0x20, s22, s11, $0xb8;
	[tilespmem:$0x1E400] =	vst v63  }
0x251: {  	_ =	swait.ge [sflag:s13], $0x8000  }
0x252: {  	[sflag:s13] =	ssyncset.done $0x0  }
0x253: {  	s31 =	rddreg [dreg:$0x12];
	[sflag:s13] =	ssyncadd.s32 $0xFFFF8000  }
0x254: {  	[hbm4b:s31+s2] =	stream.linear.scatter [tilespmem:s7], [sflag:$0x6], $0x8000, $0x38;
	[tilespmem:$0x1E400] =	vst v63  }
0x255: {  	_ =	swait.ge [sflag:s9], $0x8000  }
0x256: {  	[sflag:s9] =	ssyncset.done $0x0  }
0x257: {  	[sflag:s9] =	ssyncadd.s32 $0xFFFF8000  }
0x258: {  	[tilespmem:s7], [sflag:$0x3] =	stream.indirect.gather [hbm4b:s8+s11], $0x20, s21, s11, $0xb8;
	[tilespmem:$0x1E400] =	vst v63  }
0x259: {  	_ =	swait.ge [sflag:s5], $0x8000  }
0x25a: {  	[sflag:s5] =	ssyncset.done $0x0  }
0x25b: {  	s1 =	rddreg [dreg:$0x13];
	[sflag:s5] =	ssyncadd.s32 $0xFFFF8000  }
0x25c: {  	[hbm4b:s1+s2] =	stream.linear.scatter [tilespmem:s3], [sflag:$0x4], $0x8000, $0x38;
	[tilespmem:$0x1E400] =	vst v63  }
0x25d: {  	_ =	swait.ge [sflag:s4], $0x8000  }
0x25e: {  	[sflag:s4] =	ssyncset.done $0x0  }
0x25f: {  	[sflag:s4] =	ssyncadd.s32 $0xFFFF8000  }
0x260: {  	[tilespmem:s3], [sflag:$0x1] =	stream.indirect.gather [hbm4b:s8+s11], $0x20, s20, s11, $0xb8;
	[tilespmem:$0x1E400] =	vst v63  }
0x261: {  	_ =	swait.ge [sflag:s12], $0x8000  }
0x262: {  	[sflag:s12] =	ssyncset.done $0x0  }
0x263: {  	s21 =	rddreg [dreg:$0x14];
	[sflag:s12] =	ssyncadd.s32 $0xFFFF8000  }
0x264: {  	[hbm4b:s21+s2] =	stream.linear.scatter [tilespmem:s10], [sflag:$0x5], $0x8000, $0x38;
	[tilespmem:$0x1E400] =	vst v63  }
0x265: {  	_ =	swait.ge [sflag:s6], $0x8000  }
0x266: {  	[sflag:s6] =	ssyncset.done $0x0  }
0x267: {  	[sflag:s6] =	ssyncadd.s32 $0xFFFF8000  }
0x268: {  	[tilespmem:s10], [sflag:$0x2] =	stream.indirect.gather [hbm4b:s8+s11], $0x20, s19, s11, $0xb8;
	[tilespmem:$0x1E400] =	vst v63  }
0x269: {  	_ =	swait.ge [sflag:s13], $0x8000  }
0x26a: {  	[sflag:s13] =	ssyncset.done $0x0  }
0x26b: {  	s22 =	rddreg [dreg:$0x15];
	[sflag:s13] =	ssyncadd.s32 $0xFFFF8000  }
0x26c: {  	[hbm4b:s22+s2] =	stream.linear.scatter [tilespmem:s7], [sflag:$0x6], $0x8000, $0x38;
	[tilespmem:$0x1E400] =	vst v63  }
0x26d: {  	_ =	swait.ge [sflag:s9], $0x8000  }
0x26e: {  	[sflag:s9] =	ssyncset.done $0x0  }
0x26f: {  	[sflag:s9] =	ssyncadd.s32 $0xFFFF8000  }
0x270: {  	[tilespmem:s7], [sflag:$0x3] =	stream.indirect.gather [hbm4b:s8+s11], $0x20, s18, s11, $0xb8;
	[tilespmem:$0x1E400] =	vst v63  }
0x271: {  	_ =	swait.ge [sflag:s5], $0x8000  }
0x272: {  	[sflag:s5] =	ssyncset.done $0x0  }
0x273: {  	s23 =	rddreg [dreg:$0x16];
	[sflag:s5] =	ssyncadd.s32 $0xFFFF8000  }
0x274: {  	[hbm4b:s23+s2] =	stream.linear.scatter [tilespmem:s3], [sflag:$0x4], $0x8000, $0x38;
	[tilespmem:$0x1E400] =	vst v63  }
0x275: {  	_ =	swait.ge [sflag:s4], $0x8000  }
0x276: {  	[sflag:s4] =	ssyncset.done $0x0  }
0x277: {  	[sflag:s4] =	ssyncadd.s32 $0xFFFF8000  }
0x278: {  	[tilespmem:s3], [sflag:$0x1] =	stream.indirect.gather [hbm4b:s8+s11], $0x20, s17, s11, $0xb8;
	[tilespmem:$0x1E400] =	vst v63  }
0x279: {  	_ =	swait.ge [sflag:s12], $0x8000  }
0x27a: {  	[sflag:s12] =	ssyncset.done $0x0  }
0x27b: {  	s24 =	rddreg [dreg:$0x17];
	[sflag:s12] =	ssyncadd.s32 $0xFFFF8000  }
0x27c: {  	[hbm4b:s24+s2] =	stream.linear.scatter [tilespmem:s10], [sflag:$0x5], $0x8000, $0x38;
	[tilespmem:$0x1E400] =	vst v63  }
0x27d: {  	_ =	swait.ge [sflag:s6], $0x8000  }
0x27e: {  	[sflag:s6] =	ssyncset.done $0x0  }
0x27f: {  	[sflag:s6] =	ssyncadd.s32 $0xFFFF8000  }
0x280: {  	[tilespmem:s10], [sflag:$0x2] =	stream.indirect.gather [hbm4b:s8+s11], $0x20, s16, s11, $0xb8;
	[tilespmem:$0x1E400] =	vst v63  }
0x281: {  	_ =	swait.ge [sflag:s13], $0x8000  }
0x282: {  	[sflag:s13] =	ssyncset.done $0x0  }
0x283: {  	s25 =	rddreg [dreg:$0x18];
	[sflag:s13] =	ssyncadd.s32 $0xFFFF8000  }
0x284: {  	[hbm4b:s25+s2] =	stream.linear.scatter [tilespmem:s7], [sflag:$0x6], $0x8000, $0x38;
	[tilespmem:$0x1E400] =	vst v63  }
0x285: {  	_ =	swait.ge [sflag:s9], $0x8000  }
0x286: {  	[sflag:s9] =	ssyncset.done $0x0  }
0x287: {  	[sflag:s9] =	ssyncadd.s32 $0xFFFF8000  }
0x288: {  	[tilespmem:s7], [sflag:$0x3] =	stream.indirect.gather [hbm4b:s8+s11], $0x20, s15, s11, $0xb8;
	[tilespmem:$0x1E400] =	vst v63  }
0x289: {  	_ =	swait.ge [sflag:s5], $0x8000  }
0x28a: {  	[sflag:s5] =	ssyncset.done $0x0  }
0x28b: {  	s26 =	rddreg [dreg:$0x19];
	[sflag:s5] =	ssyncadd.s32 $0xFFFF8000  }
0x28c: {  	[hbm4b:s26+s2] =	stream.linear.scatter [tilespmem:s3], [sflag:$0x4], $0x8000, $0x38;
	[tilespmem:$0x1E400] =	vst v63  }
0x28d: {  	_ =	swait.ge [sflag:s4], $0x8000  }
0x28e: {  	[sflag:s4] =	ssyncset.done $0x0  }
0x28f: {  	[sflag:s4] =	ssyncadd.s32 $0xFFFF8000  }
0x290: {  	[tilespmem:s3], [sflag:$0x1] =	stream.indirect.gather [hbm4b:s8+s11], $0x20, s14, s11, $0xb8;
	[tilespmem:$0x1E400] =	vst v63  }
0x291: {  	_ =	swait.ge [sflag:s12], $0x8000  }
0x292: {  	[sflag:s12] =	ssyncset.done $0x0  }
0x293: {  	s28 =	rddreg [dreg:$0x1a];
	[sflag:s12] =	ssyncadd.s32 $0xFFFF8000  }
0x294: {  	[hbm4b:s28+s2] =	stream.linear.scatter [tilespmem:s10], [sflag:$0x5], $0x8000, $0x38;
	[tilespmem:$0x1E400] =	vst v63  }
0x295: {  	_ =	swait.ge [sflag:s13], $0x8000  }
0x296: {  	[sflag:s13] =	ssyncset.done $0x0  }
0x297: {  	s29 =	rddreg [dreg:$0x1b];
	[sflag:s13] =	ssyncadd.s32 $0xFFFF8000  }
0x298: {  	[hbm4b:s29+s2] =	stream.linear.scatter [tilespmem:s7], [sflag:$0x6], $0x8000, $0x38;
	[tilespmem:$0x1E400] =	vst v63  }
0x299: {  	_ =	swait.ge [sflag:s5], $0x8000  }
0x29a: {  	[sflag:s5] =	ssyncset.done $0x0  }
0x29b: {  	s30 =	rddreg [dreg:$0x1c];
	[sflag:s5] =	ssyncadd.s32 $0xFFFF8000  }
0x29c: {  	[hbm4b:s30+s2] =	stream.linear.scatter [tilespmem:s3], [sflag:$0x4], $0x8000, $0x38;
	[tilespmem:$0x1E400] =	vst v63  }
0x29d: {  	_ =	swait.ge [sflag:s4], $0x8000  }
0x29e: {  	[sflag:s4] =	ssyncset.done $0x0  }
0x29f: {  	[sflag:s4] =	ssyncadd.s32 $0xFFFF8000  }
0x2a0: {  	_ =	swait.ge [sflag:s6], $0x8000  }
0x2a1: {  	[sflag:s6] =	ssyncset.done $0x0  }
0x2a2: {  	[sflag:s6] =	ssyncadd.s32 $0xFFFF8000  }
0x2a3: {  	_ =	swait.ge [sflag:s9], $0x8000  }
0x2a4: {  	[sflag:s9] =	ssyncset.done $0x0  }
0x2a5: {  	[sflag:s9] =	ssyncadd.s32 $0xFFFF8000  }
0x2a6: {  	_ =	sfence.sel $0x180000  }
0x2a7: {  	[bflag:$0x0] =	sbarrier.arrive $0xFFFF  }
0x2a8: {  	_ =	strace $0x90000047  }
0x2a9: {  	s31 =	stileid.u32;
	[bflag:$0x2] =	sbarrier.arrive $0xFFFF  }
0x2aa: {  	p0 =	sne.s32 s31, $0x0;
	s0 =	rddreg [dreg:$0x2]  }
0x2ab: {  	s0 =	sadd.s32 @!p0 $0x100000, s0  }
0x2ac: {  	[sflag:s0] =	ssyncadd.tile.s32 @!p0 $0x1;
	_ =	shalt  }
.Lfunc_end2:
_tile_overlayer_lowered:
.L_overlay_start_2:
0x2ad: {  	(tag) =	ssettag $0x2  }
0x2ae: {  	s0 =	rddreg [dreg:$0x0];
	s2 =	stileid.u32  }
0x2af: {  	s1 =	rddreg [dreg:$0x1];
	p0 =	sne.s32 s2, $0x0  }
0x2b0: {  	s3 =	rddreg [dreg:$0x2];
	[bflag:$0x3] =	sbarrier.arrive $0xFFFF;
	s2 =	simm.s32 @!p0 $0x1C07  }
0x2b1: {  	[timem:s3], [sflag:s2] =	dma.local @!p0 [hbm:s0], s1  }
0x2b2: {  	s0 =	simm.s32 @!p0 $0x7  }
0x2b3: {  	_ =	swait.ge @!p0 [sflag:s0], s1  }
0x2b4: {  	s1 =	ssub.s32 @!p0 $0x0, s1;
	[sflag:s0] =	ssyncset.done @!p0 $0x0  }
0x2b5: {  	[sflag:s0] =	ssyncadd.s32 @!p0 s1  }
0x2b6: {  	[bflag:$0x3] =	sbarrier.arrive $0xFFFF  }
0x2b7: {  	_ =	shalt  }

// kernel: sparse-core-data-format-call.1.cloned.1.call-start
scs
called_computation.1_lowered:
.L_overlay_start_0:
0x0: {  	s2 =	sld [smem:$0x3FD9]  }
0x1: {  	s3 =	sld [smem:$0x3FFE];
	_ =	sdelay $0x1  }
0x2: {  	s1 =	srdreg.scid  }
0x3: {  	s0 =	sand.u32 $0x1, s1  }
0x4: {  	s18 =	sshll.u32 s0, $0xA;
	s2 =	sadd.s32 s3, s2  }
0x5: {  	s2 =	sadd.s32 s2, s18  }
0x6: {  	[smem:$0x3FC6] =	sst s2  }
0x7: {  	_ = 	snop  }
0x8: {  	s2 =	sld [smem:$0x3FD0];
	(tm) =	ssettm $0x1  }
0x9: {  	s19 =	sld [smem:$0x3FFB];
	_ =	sdelay $0x3  }
0xa: {  	_ =	strace s19  }
0xb: {  	s3 =	sld [smem:$0x3FFC];
	_ =	sdelay $0x3  }
0xc: {  	_ =	strace s3  }
0xd: {  	s3 =	sld [smem:$0x3FFD];
	_ =	sdelay $0x3  }
0xe: {  	_ =	strace s3  }
0xf: {  	_ =	strace $0x8FFFFFFF  }
0x10: {  	s20 =	sld [smem:$0x3FDB];
	_ =	sdelay $0x1  }
0x11: {  	s4 =	simm.s32 $_scs_section_size  }
0x12: {  	s5 =	simm.s32 $_size__tile_overlayer_lowered;
	s6 =	simm.s32 $_tile_overlayer_lowered  }
0x13: {  	s23 =	simm.s32 $0x1BFF;
	s22 =	sshll.u32 s6, $0x1;
	s3 =	sadd.s32 s4, s20  }
0x14: {  	s7 =	simm.s32 $0x0;
	s21 =	sshll.u32 s5, $0x1;
	s5 =	sadd.s32 s22, s3  }
0x15: {  	[timem:s7], [sflag:s23] =	dma.local [hbm:s5], s21  }
0x16: {  	_ =	swait.ge [sflag:s23], s21  }
0x17: {  	s4 =	ssub.s32 $0x0, s21;
	[sflag:s23] =	ssyncset.done $0x0  }
0x18: {  	[sflag:s23] =	ssyncadd.s32 s4;
	_ =	sdelay $0x1  }
0x19: {  	s24 =	simm.s32 $0x1B8B  }
0x1a: {  	_ =	swait.ge [sflag:s24], $0x1  }
0x1b: {  	[sflag:s24] =	ssyncset.done $0x0  }
0x1c: {  	s26 =	simm.s32 $0x1B8E;
	s25 =	sld [smem:$0x3FFE];
	[sflag:s24] =	ssyncadd.s32 $0xFFFFFFFF  }
0x1d: {  	s27 =	simm.s32 $execute0_lowered;
	[smem:$0x3FD2] =	sst s26  }
0x1e: {  	s5 =	sshll.u32 s27, $0x1;
	_ =	strace $0x80000049;
	[dreg:$0x1] =	wrdreg $0xFFFFFFFF  }
0x1f: {  	s28 =	simm.s32 $_size_execute0_lowered;
	s3 =	sadd.s32 s3, s5;
	[dreg:$0x0] =	wrdreg $0x0  }
0x20: {  	s5 =	sshll.u32 s28, $0x1;
	[dreg:$0x2] =	wrdreg s3  }
0x21: {  	[dreg:$0x3] =	wrdreg s5  }
0x22: {  	[dreg:$0x4] =	wrdreg $0xC0  }
0x23: {  	_ =	task [dreg:s7], $0x5FFFF  }
0x24: {  	[dreg:$0x1] =	wrdreg $0xFFFFFFFF  }
0x25: {  	[dreg:$0x0] =	wrdreg $0x60  }
0x26: {  	[dreg:$0x2] =	wrdreg s25  }
0x27: {  	[dreg:$0x3] =	wrdreg s2  }
0x28: {  	[dreg:$0x4] =	wrdreg $0x9  }
0x29: {  	_ =	task.clear_ibuf [dreg:s7], $0x5FFFF;
	_ =	strace $0x90000049  }
0x2a: {  	s29 =	simm.s32 $0x9;
	_ =	strace $0x8000004B  }
0x2b: {  	_ =	swait.ge [sflag:s29], $0x1  }
0x2c: {  	[sflag:s29] =	ssyncadd.s32 $0xFFFFFFFF  }
0x2d: {  	_ =	strace $0x9000004B  }
0x2e: {  	_ =	sfence  }
0x2f: {  	s30 =	sld [smem:$0x0];
	_ =	sdelay $0x2  }
0x30: {  	s31 =	sshll.u32 s1, $0xD;
	s1 =	sshrl.u32 s1, $0x2  }
0x31: {  	s3 =	sand.u32 $0x4000, s31;
	s1 =	sadd.s32 s1, s30  }
0x32: {  	s0 =	sor.u32 s3, s0;
	s1 =	sshll.u32 s1, $0x11  }
0x33: {  	s0 =	sor.u32 s1, s0  }
0x34: {  	s0 =	sadd.s32 $0x8F2B, s0  }
0x35: {  	[sflag:s0] =	ssyncadd.remote.s32 $0x1  }
0x36: {  	_ =	sfence.sel $0xFFFF  }
0x37: {  	[dreg:$0x0] =	wrdreg $0xFFFFFFFF;
	(pc) =	sbr.abs _section_cstart, $3  }
0x38: {  	[dreg:$0x1] =	wrdreg $0xFFFFFFFF  }
0x39: {  	_ =	task.clear_ibuf [dreg:s7], $0x2FFFF;
	_ =	strace $0x9FFFFFFF  }
0x3a: {  	(tm) =	ssettm $0x7FFFFFFF  }
0x3b: {  	_ =	shalt  }
tec
execute0_lowered:
.L_overlay_start_1:
0x0: {  	(tag) =	ssettag $0x1  }
0x1: {  	s0 =	srdreg.scid  }
0x2: {  	s1 =	sshll.u32 s0, $0x4  }
0x3: {  	s4 =	rddreg [dreg:$0x0];
	s0 =	stileid.u32;
	s1 =	sand.u32 $0x10, s1  }
0x4: {  	s2 =	rddreg [dreg:$0x1];
	s7 =	simm.s32 $0x1;
	s1 =	sor.u32 s0, s1  }
0x5: {  	s8 =	simm.s32 $0x2;
	s11 =	simm.s32 $0x0;
	s3 =	sshll.u32 s1, $0x7  }
0x6: {  	s10 =	simm.s32 $0x0;
	s4 =	sadd.s32 $0xE00, s4;
	s6 =	ssub.s32 $0xC8000, s3  }
.Ltmp0:
0x7: {  	s1 =	rddreg [dreg:$0x2];
	s5 =	sand.u32 $0xF80, s6;
	(pc) =	sbr.rel .LBB1_1-.Ltmp0, $4  }
0x8: {  	_ =	strace $0x8000004A;
	s9 =	smov.u32 s3;
	p0 =	sne.s32 s5, $0x0  }
0x9: {  	s6 =	sshrl.u32 s6, $0xC;
	s5 =	simm.s32 $0x1;
	s7 =	simm.s32 @!p0 $0x0  }
0xa: {  	[sflag:s5] =	ssyncpa.u1 $0x0;
	p0 =	por $0x0, $0x0;
	s6 =	sadd.s32 s7, s6  }
0xb: {  	[sflag:s8] =	ssyncpa.u1 $0x0;
	s8 =	simm.s32 $0x640000;
	s7 =	sadd.s32 $0x1, s6  }
.LBB1_4:
0xc: {  	s14 =	sshll.u32 s11, $0x3  }
0xd: {  	s30 =	sand.u32 $0x7F, s11;
	s15 =	sand.u32 $0xFFFFFC00, s14  }
0xe: {  	s11 =	sor.u32 s30, s15  }
0xf: {  	s15 =	smulhi.u32 $0x51EB851F, s11  }
0x10: {  	s14 =	smulhi.u32 $0x51EB851F, s14  }
0x11: {  	s15 =	sshrl.u32 s15, $0x12  }
0x12: {  	s14 =	sshrl.u32 s14, $0x12;
	s15 =	smul.u32 $0xC8000, s15  }
0x13: {  	s14 =	sand.u32 $0x1F, s14  }
0x14: {  	s14 =	smul.u32 $0x19000, s14;
	s11 =	ssub.s32 s11, s15  }
0x15: {  	s15 =	sand.u32 $0x7, s11  }
0x16: {  	s14 =	sadd.s32 s2, s14;
	s11 =	sshrl.u32 s11, $0x3;
	s15 =	sshll.u32 s15, $0x12  }
0x17: {  	[tilespmem:s13+$0x0 ss:$0x81] =	vst.msk $0xffff, v0;
	s11 =	sadd.s32 s11, s14;
	s31 =	sor.u32 $0x400, s15  }
0x18: {  	[hbm4b:s11+s31] =	stream.strided.scatter [tilespmem:s12], [sflag:$0x2], $0x1000, s8, s31, $0x20;
	[tilespmem:$0x4040] =	vst v63  }
.LBB1_5:
0x19: {  	s13 =	sadd.s32 $0x1000, s9  }
0x1a: {  	p2 =	sgt.s32 s13, $0xC7FFF  }
0x1b: {  	s13 =	smov.u32 @p2 s3;
	p2 =	sne.s32 s10, s7  }
.Ltmp1:
0x1c: {  	p1 =	slt.u32 s10, $0x2;
	(pc) =	sbr.rel @!p2 .LBB1_6-.Ltmp1, $4  }
0x1d: {  	s12 =	simm.s32 @!p1 $0x2  }
0x1e: {  	s14 =	sadd.s32 $0x1, s10;
	_ =	swait.ge @!p1 [sflag:s12], $0x1000  }
0x1f: {  	s11 =	smov.u32 s9;
	p0 =	por !p0, !p0;
	[sflag:s12] =	ssyncset.done @!p1 $0x0  }
0x20: {  	s10 =	smov.u32 s14;
	s9 =	smov.u32 s13;
	[sflag:s12] =	ssyncadd.s32 @!p1 $0xFFFFF000  }
.LBB1_1:
0x21: {  	p1 =	sge.u32 s10, s6  }
0x22: {  	s12 =	sand.u32 @!p1 $0x1FFFFFF, s9  }
0x23: {  	s13 =	smulhi.u32 @!p1 $0x147AE15, s12;
	_ =	sdelay $0x1  }
0x24: {  	s13 =	sshrl.u32 @!p1 s13, $0xC  }
0x25: {  	s13 =	smul.u32 @!p1 $0xC8000, s13;
	_ =	sdelay $0x1  }
0x26: {  	s31 =	sadd.s32 $0xFFFFFFFF, s10;
	s14 =	sxor.u32 @!p1 $0xFFFFFFFF, s10;
	s12 =	ssub.s32 @!p1 s12, s13  }
0x27: {  	s15 =	simm.s32 @!p1 $0x80;
	s14 =	sshll.u32 @!p1 s14, $0xC;
	s12 =	sshll.u32 @!p1 s12, $0x4  }
0x28: {  	s13 =	sand.u32 @!p1 $0x1000, s14;
	s14 =	simm.s32 @!p1 $0x20;
	s12 =	sadd.s32 @!p1 s4, s12  }
0x29: {  	[tilespmem:s13], [sflag:$0x1] =	stream.strided.gather @!p1 [hbm4b:s12+s14], $0x1000, s15, s14, $0x38;
	[tilespmem:$0x4040] =	vst v63  }
0x2a: {  	p1 =	sge.u32 s31, s6  }
.Ltmp2:
0x2b: {  	_ = 	snop;
	(pc) =	sbr.rel @p1 .LBB1_5-.Ltmp2, $1  }
0x2c: {  	_ =	sdelay $0x3  }
0x2d: {  	s12 =	simm.s32 $0x1  }
0x2e: {  	_ =	swait.ge [sflag:s5], $0x1000;
	s12 =	simm.s32 @!p0 $0x0  }
0x2f: {  	[sflag:s5] =	ssyncset.done $0x0;
	s13 =	sshll.u32 s12, $0xC  }
0x30: {  	[sflag:s5] =	ssyncadd.s32 $0xFFFFF000;
	s16 =	sor.u32 $0x10, s13  }
0x31: {  	s12 =	smul.u32 $0x4080, s12;
	v1 =	vld [tilespmem:s16+$0x0]  }
0x32: {  	s30 =	sand.u32 $0x1, s10;
	v0 =	vld [tilespmem:s16+$0xFFFFFFF0]  }
0x33: {  	s13 =	smul.u32 $0x4080, s30;
	s12 =	sshrl.u32 s12, $0x2  }
0x34: {  	s14 =	sor.u32 $0x2000, s12  }
0x35: {  	s31 =	sshrl.u32 s13, $0x2;
	s13 =	sadd.s32 $0x0, s14  }
0x36: {  	s15 =	simm.s32 $0x4;
	s16 =	sadd.s32 $0x20, s16;
	s12 =	sor.u32 $0x2000, s31;
	[tilespmem:s13+$0x810 ss:$0x81] =	vst.msk $0xffff, v1  }
.LBB1_3:
0x37: {  	v1 =	vld [tilespmem:s16+$0x0];
	p1 =	sne.s32 s15, $0x1FC;
	[tilespmem:s13+$0x0 ss:$0x81] =	vst.msk $0xffff, v0;
	s13 =	smov.u32 s15;
	s15 =	sadd.s32 $0x4, s15  }
.Ltmp3:
0x38: {  	v0 =	vld [tilespmem:s16+$0xFFFFFFF0];
	(pc) =	sbr.rel @p1 .LBB1_3-.Ltmp3, $4  }
0x39: {  	_ = 	snop  }
0x3a: {  	s13 =	sshra.s32 s13, $0x2  }
0x3b: {  	s13 =	sadd.s32 s13, s14  }
0x3c: {  	s16 =	sadd.s32 $0x20, s16;
	[tilespmem:s13+$0x810 ss:$0x81] =	vst.msk $0xffff, v1  }
.Ltmp4:
0x3d: {  	_ = 	snop;
	(pc) =	sbr.rel .LBB1_4-.Ltmp4, $1  }
0x3e: {  	_ =	sdelay $0x3  }
.LBB1_6:
0x3f: {  	_ =	sfence.sel $0x180000  }
0x40: {  	s2 =	simm.s32 $0x1;
	[bflag:$0x0] =	sbarrier.arrive $0xFFFF  }
0x41: {  	s31 =	simm.s32 $0x2;
	[sflag:s2] =	ssyncpa.u1 $0x1  }
0x42: {  	[sflag:s31] =	ssyncpa.u1 $0x1  }
0x43: {  	p0 =	sne.s32 s0, $0x0;
	_ =	strace $0x9000004A  }
0x44: {  	s0 =	sadd.s32 @!p0 $0x100000, s1;
	[bflag:$0x2] =	sbarrier.arrive $0xFFFF  }
0x45: {  	[sflag:s0] =	ssyncadd.tile.s32 @!p0 $0x1;
	_ =	shalt  }
.Lfunc_end1:
_tile_overlayer_lowered:
.L_overlay_start_2:
0x46: {  	(tag) =	ssettag $0x2  }
0x47: {  	s0 =	rddreg [dreg:$0x0];
	s2 =	stileid.u32  }
0x48: {  	s1 =	rddreg [dreg:$0x1];
	p0 =	sne.s32 s2, $0x0  }
0x49: {  	s3 =	rddreg [dreg:$0x2];
	[bflag:$0x3] =	sbarrier.arrive $0xFFFF;
	s2 =	simm.s32 @!p0 $0x1C01  }
0x4a: {  	[timem:s3], [sflag:s2] =	dma.local @!p0 [hbm:s0], s1  }
0x4b: {  	s0 =	simm.s32 @!p0 $0x1  }
0x4c: {  	_ =	swait.ge @!p0 [sflag:s0], s1  }
0x4d: {  	s1 =	ssub.s32 @!p0 $0x0, s1;
	[sflag:s0] =	ssyncset.done @!p0 $0x0  }
0x4e: {  	[sflag:s0] =	ssyncadd.s32 @!p0 s1  }
0x4f: {  	[bflag:$0x3] =	sbarrier.arrive $0xFFFF  }
0x50: {  	_ =	shalt  }

// kernel: sparse-core-data-format-call.cloned.1.call-start
scs
called_computation_lowered:
.L_overlay_start_0:
0x0: {  	s2 =	sld [smem:$0x3FD9]  }
0x1: {  	s3 =	sld [smem:$0x3FFE];
	_ =	sdelay $0x1  }
0x2: {  	s1 =	srdreg.scid  }
0x3: {  	s0 =	sand.u32 $0x1, s1  }
0x4: {  	s18 =	sshll.u32 s0, $0xA;
	s2 =	sadd.s32 s3, s2  }
0x5: {  	s2 =	sadd.s32 s2, s18  }
0x6: {  	[smem:$0x3FC6] =	sst s2  }
0x7: {  	_ = 	snop  }
0x8: {  	s2 =	sld [smem:$0x3FD0];
	(tm) =	ssettm $0x1  }
0x9: {  	s19 =	sld [smem:$0x3FFB];
	_ =	sdelay $0x3  }
0xa: {  	_ =	strace s19  }
0xb: {  	s3 =	sld [smem:$0x3FFC];
	_ =	sdelay $0x3  }
0xc: {  	_ =	strace s3  }
0xd: {  	s3 =	sld [smem:$0x3FFD];
	_ =	sdelay $0x3  }
0xe: {  	_ =	strace s3  }
0xf: {  	_ =	strace $0x8FFFFFFF  }
0x10: {  	s20 =	sld [smem:$0x3FDB];
	_ =	sdelay $0x1  }
0x11: {  	s4 =	simm.s32 $_scs_section_size  }
0x12: {  	s5 =	simm.s32 $_size__tile_overlayer_lowered;
	s6 =	simm.s32 $_tile_overlayer_lowered  }
0x13: {  	s23 =	simm.s32 $0x1BFF;
	s22 =	sshll.u32 s6, $0x1;
	s3 =	sadd.s32 s4, s20  }
0x14: {  	s7 =	simm.s32 $0x0;
	s21 =	sshll.u32 s5, $0x1;
	s5 =	sadd.s32 s22, s3  }
0x15: {  	[timem:s7], [sflag:s23] =	dma.local [hbm:s5], s21  }
0x16: {  	_ =	swait.ge [sflag:s23], s21  }
0x17: {  	s4 =	ssub.s32 $0x0, s21;
	[sflag:s23] =	ssyncset.done $0x0  }
0x18: {  	[sflag:s23] =	ssyncadd.s32 s4;
	_ =	sdelay $0x1  }
0x19: {  	s24 =	simm.s32 $0x1B8B  }
0x1a: {  	_ =	swait.ge [sflag:s24], $0x1  }
0x1b: {  	[sflag:s24] =	ssyncset.done $0x0  }
0x1c: {  	s26 =	simm.s32 $0x1B8E;
	s25 =	sld [smem:$0x3FFE];
	[sflag:s24] =	ssyncadd.s32 $0xFFFFFFFF  }
0x1d: {  	s27 =	simm.s32 $execute0_lowered;
	[smem:$0x3FD2] =	sst s26  }
0x1e: {  	s5 =	sshll.u32 s27, $0x1;
	_ =	strace $0x8000004C;
	[dreg:$0x1] =	wrdreg $0xFFFFFFFF  }
0x1f: {  	s28 =	simm.s32 $_size_execute0_lowered;
	s3 =	sadd.s32 s3, s5;
	[dreg:$0x0] =	wrdreg $0x0  }
0x20: {  	s5 =	sshll.u32 s28, $0x1;
	[dreg:$0x2] =	wrdreg s3  }
0x21: {  	[dreg:$0x3] =	wrdreg s5  }
0x22: {  	[dreg:$0x4] =	wrdreg $0xC0  }
0x23: {  	_ =	task [dreg:s7], $0x5FFFF  }
0x24: {  	[dreg:$0x1] =	wrdreg $0xFFFFFFFF  }
0x25: {  	[dreg:$0x0] =	wrdreg $0x60  }
0x26: {  	[dreg:$0x2] =	wrdreg s25  }
0x27: {  	[dreg:$0x3] =	wrdreg s2  }
0x28: {  	[dreg:$0x4] =	wrdreg $0x9  }
0x29: {  	_ =	task.clear_ibuf [dreg:s7], $0x5FFFF;
	_ =	strace $0x9000004C  }
0x2a: {  	s29 =	simm.s32 $0x9;
	_ =	strace $0x8000004E  }
0x2b: {  	_ =	swait.ge [sflag:s29], $0x1  }
0x2c: {  	[sflag:s29] =	ssyncadd.s32 $0xFFFFFFFF  }
0x2d: {  	_ =	strace $0x9000004E  }
0x2e: {  	_ =	sfence  }
0x2f: {  	s30 =	sld [smem:$0x0];
	_ =	sdelay $0x2  }
0x30: {  	s31 =	sshll.u32 s1, $0xD;
	s1 =	sshrl.u32 s1, $0x2  }
0x31: {  	s3 =	sand.u32 $0x4000, s31;
	s1 =	sadd.s32 s1, s30  }
0x32: {  	s0 =	sor.u32 s3, s0;
	s1 =	sshll.u32 s1, $0x11  }
0x33: {  	s0 =	sor.u32 s1, s0  }
0x34: {  	s0 =	sadd.s32 $0x8F2B, s0  }
0x35: {  	[sflag:s0] =	ssyncadd.remote.s32 $0x1  }
0x36: {  	_ =	sfence.sel $0xFFFF  }
0x37: {  	[dreg:$0x0] =	wrdreg $0xFFFFFFFF;
	(pc) =	sbr.abs _section_cstart, $3  }
0x38: {  	[dreg:$0x1] =	wrdreg $0xFFFFFFFF  }
0x39: {  	_ =	task.clear_ibuf [dreg:s7], $0x2FFFF;
	_ =	strace $0x9FFFFFFF  }
0x3a: {  	(tm) =	ssettm $0x7FFFFFFF  }
0x3b: {  	_ =	shalt  }
tec
execute0_lowered:
.L_overlay_start_1:
0x0: {  	(tag) =	ssettag $0x1  }
0x1: {  	s8 =	rddreg [dreg:$0x0]  }
0x2: {  	s2 =	rddreg [dreg:$0x1];
	s1 =	stileid.u32  }
0x3: {  	s4 =	srdreg.scid;
	s0 =	rddreg [dreg:$0x2];
	_ =	strace $0x8000004D  }
0x4: {  	s9 =	simm.s32 $0x1;
	s31 =	simm.s32 $0x2;
	s16 =	simm.s32 $0x0  }
0x5: {  	s17 =	simm.s32 $0x0;
	s11 =	simm.s32 $0x0;
	s12 =	simm.s32 $0x0  }
0x6: {  	s15 =	simm.s32 $0x0;
	s3 =	sshll.u32 s1, $0x1;
	s4 =	sshll.u32 s4, $0x7  }
0x7: {  	s4 =	sand.u32 $0x80, s4;
	s5 =	ssub.s32 $0x20, s3;
	s14 =	smov.u32 s3  }
0x8: {  	s6 =	sshrl.u32 s5, $0x5;
	s5 =	sand.u32 $0x1E, s5;
	s7 =	ssub.s32 $0x4000, s4  }
0x9: {  	p0 =	sne.s32 s5, $0x0;
	s30 =	sshrl.u32 s7, $0x7;
	s7 =	sshrl.u32 s7, $0x8  }
.Ltmp0:
0xa: {  	s9 =	simm.s32 @!p0 $0x0;
	s10 =	sand.u32 $0x1, s30;
	(pc) =	sbr.rel .LBB1_1-.Ltmp0, $4  }
0xb: {  	s5 =	simm.s32 $0x1;
	s6 =	sadd.s32 s9, s6;
	s7 =	sadd.s32 s7, s10  }
0xc: {  	s13 =	smov.u32 s4;
	[sflag:s5] =	ssyncpa.u1 $0x0;
	s6 =	smul.u32 s6, s7  }
0xd: {  	p0 =	por $0x0, $0x0;
	[sflag:s31] =	ssyncpa.u1 $0x0;
	s10 =	simm.s32 $0x80000  }
0xe: {  	s7 =	sadd.s32 $0xE00, s8;
	s8 =	sadd.s32 $0x40E00, s8;
	s9 =	sadd.s32 $0x1, s6  }
.LBB1_7:
0xf: {  	p1 =	slt.u32 s15, $0x2  }
0x10: {  	s19 =	smov.u32 s17;
	p2 =	sgt.s32 @!p1 s17, $0x1E;
	s18 =	sshra.s32 @!p1 s17, $0x1F  }
0x11: {  	p3 =	sgt.s32 @!p1 s16, $0x3F80;
	s20 =	sshra.s32 @!p1 s16, $0x1F;
	p2 =	por !p2, p1  }
0x12: {  	s17 =	sand.u32 @!p1 s18, s17;
	p3 =	por !p3, p1;
	s18 =	smov.u32 s16  }
0x13: {  	s16 =	sand.u32 @!p1 s20, s16;
	s19 =	simm.s32 @p2 $0x1E;
	s18 =	simm.s32 @p3 $0x3F80  }
0x14: {  	s20 =	smov.u32 s14;
	s17 =	ssub.s32 @!p1 s19, s17;
	s16 =	ssub.s32 @!p1 s18, s16  }
0x15: {  	s18 =	sadd.s32 @!p1 $0xFFFFFFE2, s17;
	s17 =	ssub.s32 @!p1 $0x20, s17;
	s19 =	sadd.s32 @!p1 $0xFFFFC080, s16  }
0x16: {  	p2 =	sgt.s32 @!p1 s18, $0x1;
	s17 =	smul.u32 @!p1 $0x32, s17;
	p3 =	sgt.s32 @!p1 s19, $0x7F  }
0x17: {  	s16 =	ssub.s32 @!p1 $0x4000, s16;
	p2 =	por !p2, p1;
	p3 =	por !p3, p1  }
0x18: {  	s18 =	sadd.s32 $0x100, s13;
	s17 =	simm.s32 @!p2 $0x0;
	s16 =	simm.s32 @!p3 $0x0  }
0x19: {  	p2 =	sgt.s32 s18, $0x3FFF;
	s16 =	smul.u32 @!p1 s16, s17;
	s17 =	sadd.s32 $0x20, s14  }
0x1a: {  	s20 =	smov.u32 @p2 s17  }
0x1b: {  	s18 =	smov.u32 @p2 s4;
	p2 =	sgt.s32 s20, $0x1F  }
0x1c: {  	s20 =	smov.u32 @p2 s3;
	p2 =	sne.s32 s15, s9  }
.Ltmp1:
0x1d: {  	p0 =	por !p0, !p0;
	s19 =	simm.s32 @!p1 $0x2;
	(pc) =	sbr.rel @!p2 .LBB1_8-.Ltmp1, $4  }
0x1e: {  	s17 =	smov.u32 s12;
	s12 =	smov.u32 s14;
	s16 =	sand.u32 @!p1 $0x3FFFFFFE, s16  }
0x1f: {  	_ =	swait.ge @!p1 [sflag:s19], s16;
	s21 =	ssub.s32 @!p1 $0x0, s16;
	s16 =	smov.u32 s11  }
0x20: {  	s15 =	sadd.s32 $0x1, s15;
	s11 =	smov.u32 s13;
	[sflag:s19] =	ssyncset.done @!p1 $0x0  }
0x21: {  	s13 =	smov.u32 s18;
	s14 =	smov.u32 s20;
	[sflag:s19] =	ssyncadd.s32 @!p1 s21  }
.LBB1_1:
0x22: {  	p1 =	sge.u32 s15, s6  }
0x23: {  	s18 =	sxor.u32 @!p1 $0xFFFFFFFF, s15;
	s19 =	sshll.u32 @!p1 s14, $0x12  }
0x24: {  	s20 =	sshll.u32 @!p1 s13, $0x4;
	s22 =	simm.s32 @!p1 $0x40;
	s23 =	simm.s32 @!p1 $0x80  }
0x25: {  	s18 =	sshll.u32 @!p1 s18, $0xE;
	s20 =	sand.u32 @!p1 $0x3FFF0, s20;
	s21 =	sadd.s32 @!p1 s7, s19  }
0x26: {  	s19 =	sadd.s32 @!p1 s19, s8;
	s18 =	sand.u32 @!p1 $0x4000, s18;
	s21 =	sadd.s32 @!p1 s20, s21  }
0x27: {  	[tilespmem:s18], [sflag:$0x1] =	stream.strided.gather @!p1 [hbm4b:s21+s22], $0x2000, s23, s22, $0x38;
	[tilespmem:$0x10100] =	vst v63  }
0x28: {  	s31 =	sadd.s32 $0xFFFFFFFF, s15;
	s19 =	sadd.s32 @!p1 s20, s19;
	s18 =	sor.u32 @!p1 $0x2000, s18  }
0x29: {  	[tilespmem:s18], [sflag:$0x1] =	stream.strided.gather @!p1 [hbm4b:s19+s22], $0x2000, s23, s22, $0x38;
	[tilespmem:$0x10100] =	vst v63  }
0x2a: {  	p1 =	sge.u32 s31, s6  }
.Ltmp2:
0x2b: {  	_ = 	snop;
	(pc) =	sbr.rel @p1 .LBB1_7-.Ltmp2, $1  }
0x2c: {  	_ =	sdelay $0x3  }
0x2d: {  	s18 =	simm.s32 $0x1;
	s20 =	sand.u32 $0x1, s15  }
0x2e: {  	_ =	swait.ge [sflag:s5], $0x4000;
	s18 =	simm.s32 @!p0 $0x0;
	s20 =	smul.u32 $0x10200, s20  }
0x2f: {  	p2 =	por $0x1, $0x1;
	[sflag:s5] =	ssyncset.done $0x0;
	s19 =	smul.u32 $0x10200, s18  }
0x30: {  	s21 =	sshll.u32 s18, $0x10;
	[sflag:s5] =	ssyncadd.s32 $0xFFFFC000;
	s30 =	sshrl.u32 s20, $0x2  }
0x31: {  	s31 =	sshrl.u32 s21, $0x2;
	s21 =	simm.s32 $0x0;
	s19 =	sshrl.u32 s19, $0x2  }
0x32: {  	s18 =	sor.u32 $0x8000, s30;
	s20 =	sadd.s32 $0x20, s31;
	s19 =	sor.u32 $0x8000, s19  }
.LBB1_3:
0x33: {  	s22 =	sshll.u32 s21, $0xD  }
0x34: {  	s22 =	sand.u32 $0x3FFFE000, s22  }
0x35: {  	s24 =	sadd.s32 s22, s20  }
0x36: {  	s31 =	smul.u32 $0x204, s21;
	v3 =	vld [tilespmem:s24+$0x10]  }
0x37: {  	v1 =	vld [tilespmem:s24+$0xFFFFFFF0]  }
0x38: {  	s21 =	sshra.s32 s31, $0x2;
	v0 =	vld [tilespmem:s24+$0x0]  }
0x39: {  	s21 =	sadd.s32 s21, s19;
	v2 =	vld [tilespmem:s24+$0xFFFFFFE0]  }
0x3a: {  	s22 =	sadd.s32 $0x0, s21  }
0x3b: {  	p1 =	por p2, p2;
	s23 =	simm.s32 $0x4;
	s24 =	sadd.s32 $0x40, s24;
	[tilespmem:s22+$0x3060 ss:$0x102] =	vst.msk $0xffff, v3  }
.LBB1_4:
0x3c: {  	v3 =	vld [tilespmem:s24+$0x10];
	p2 =	sne.s32 s23, $0x1FC;
	[tilespmem:s22+$0x1020 ss:$0x102] =	vst.msk $0xffff, v1;
	s25 =	smov.u32 s23;
	s23 =	sadd.s32 $0x4, s23  }
.Ltmp3:
0x3d: {  	v1 =	vld [tilespmem:s24+$0xFFFFFFF0];
	[tilespmem:s22+$0x2040 ss:$0x102] =	vst.msk $0xffff, v0;
	(pc) =	sbr.rel @p2 .LBB1_4-.Ltmp3, $4  }
0x3e: {  	v0 =	vld [tilespmem:s24+$0x0];
	[tilespmem:s22+$0x0 ss:$0x102] =	vst.msk $0xffff, v2  }
0x3f: {  	s22 =	sshra.s32 s25, $0x2;
	v2 =	vld [tilespmem:s24+$0xFFFFFFE0]  }
0x40: {  	s22 =	sadd.s32 s22, s21  }
0x41: {  	s24 =	sadd.s32 $0x40, s24;
	[tilespmem:s22+$0x3060 ss:$0x102] =	vst.msk $0xffff, v3  }
.Ltmp4:
0x42: {  	(pc) =	sbr.rel @p1 .LBB1_3-.Ltmp4, $4  }
0x43: {  	_ = 	snop  }
0x44: {  	[tilespmem:s22+$0x1020 ss:$0x102] =	vst.msk $0xffff, v1  }
0x45: {  	[tilespmem:s22+$0x2040 ss:$0x102] =	vst.msk $0xffff, v0  }
0x46: {  	s21 =	simm.s32 $0x1;
	p2 =	por $0x0, $0x0;
	[tilespmem:s22+$0x0 ss:$0x102] =	vst.msk $0xffff, v2  }
0x47: {  	s19 =	sand.u32 $0x78, s11;
	p1 =	sgt.s32 s12, $0x1E;
	s20 =	smov.u32 s12  }
0x48: {  	s21 =	sshra.s32 s12, $0x1F;
	s22 =	sshll.u32 s12, $0xE;
	s23 =	sshll.u32 s11, $0x3  }
0x49: {  	s30 =	sshra.s32 s11, $0x1F;
	s25 =	sshll.u32 s12, $0x7;
	s20 =	simm.s32 @!p1 $0x1E  }
0x4a: {  	s21 =	sand.u32 s21, s12;
	s22 =	sand.u32 $0x60000, s22;
	p1 =	sgt.s32 s11, $0x3F80  }
0x4b: {  	s25 =	sand.u32 $0x380, s25;
	s20 =	ssub.s32 s20, s21;
	s21 =	smov.u32 s11  }
0x4c: {  	s22 =	sadd.s32 s22, s23;
	s24 =	sadd.s32 $0xFFFFFFE2, s20;
	s21 =	simm.s32 @!p1 $0x3F80  }
0x4d: {  	s20 =	ssub.s32 $0x20, s20;
	p1 =	sgt.s32 s24, $0x1;
	s24 =	sand.u32 s30, s11  }
0x4e: {  	s23 =	sand.u32 $0x3C00, s23;
	s20 =	smul.u32 $0x32, s20;
	s21 =	ssub.s32 s21, s24  }
0x4f: {  	s19 =	sor.u32 s25, s19;
	s22 =	sand.u32 $0x7C000, s22;
	s24 =	sadd.s32 $0xFFFFC080, s21  }
0x50: {  	s20 =	simm.s32 @p1 $0x0;
	s21 =	ssub.s32 $0x4000, s21;
	p1 =	sgt.s32 s24, $0x7F  }
.Ltmp5:
0x51: {  	s19 =	sor.u32 s23, s19;
	s21 =	simm.s32 @p1 $0x0;
	(pc) =	sbr.rel .LBB1_7-.Ltmp5, $4  }
0x52: {  	s31 =	sand.u32 $0x7, s11;
	s19 =	sor.u32 s22, s19;
	s20 =	smul.u32 s21, s20  }
0x53: {  	s19 =	sshrl.u32 s19, $0x3;
	s21 =	sshll.u32 s31, $0x12  }
0x54: {  	s19 =	sadd.s32 s2, s19;
	s21 =	sor.u32 $0x100, s21;
	s20 =	sand.u32 $0x3FFFFFFE, s20  }
0x55: {  	[hbm4b:s19+s21] =	stream.strided.scatter [tilespmem:s18], [sflag:$0x2], s20, s10, s21, $0x20;
	[tilespmem:$0x10100] =	vst v63  }
.LBB1_8:
0x56: {  	_ =	sfence.sel $0x180000  }
0x57: {  	s2 =	simm.s32 $0x1;
	[bflag:$0x0] =	sbarrier.arrive $0xFFFF  }
0x58: {  	s31 =	simm.s32 $0x2;
	[sflag:s2] =	ssyncpa.u1 $0x1  }
0x59: {  	[sflag:s31] =	ssyncpa.u1 $0x1  }
0x5a: {  	p0 =	sne.s32 s1, $0x0;
	_ =	strace $0x9000004D  }
0x5b: {  	s0 =	sadd.s32 @!p0 $0x100000, s0;
	[bflag:$0x2] =	sbarrier.arrive $0xFFFF  }
0x5c: {  	[sflag:s0] =	ssyncadd.tile.s32 @!p0 $0x1;
	_ =	shalt  }
.Lfunc_end1:
_tile_overlayer_lowered:
.L_overlay_start_2:
0x5d: {  	(tag) =	ssettag $0x2  }
0x5e: {  	s0 =	rddreg [dreg:$0x0];
	s2 =	stileid.u32  }
0x5f: {  	s1 =	rddreg [dreg:$0x1];
	p0 =	sne.s32 s2, $0x0  }
0x60: {  	s3 =	rddreg [dreg:$0x2];
	[bflag:$0x3] =	sbarrier.arrive $0xFFFF;
	s2 =	simm.s32 @!p0 $0x1C01  }
0x61: {  	[timem:s3], [sflag:s2] =	dma.local @!p0 [hbm:s0], s1  }
0x62: {  	s0 =	simm.s32 @!p0 $0x1  }
0x63: {  	_ =	swait.ge @!p0 [sflag:s0], s1  }
0x64: {  	s1 =	ssub.s32 @!p0 $0x0, s1;
	[sflag:s0] =	ssyncset.done @!p0 $0x0  }
0x65: {  	[sflag:s0] =	ssyncadd.s32 @!p0 s1  }
0x66: {  	[bflag:$0x3] =	sbarrier.arrive $0xFFFF  }
0x67: {  	_ =	shalt  }

</sc_bundles>
